<compile_context>
chip_gen: v7x
topology: tpu7x:2x2x1
jax: 0.10.2.dev20260603
libtpu: 0.0.44.dev20260713+nightly
codegen_flags: <defaults>
</compile_context>

<pallas_src>
import functools

import jax
import jax.numpy as jnp
from jax import lax
from jax.experimental import pallas as pl
from jax.experimental.pallas import tpu as pltpu
from jax.experimental.pallas import tpu_sc as plsc

N, H, W, C = 8, 224, 224, 96
TOTAL = N * H * W * C
NWORK = 32
PERW = TOTAL // NWORK
CH = 2048
NCH = PERW // CH
NPART = 8192
NBIN = 1 << 19
HROWS = NBIN // 16
DSZ = TOTAL + NPART * 128 + 8192
CH4 = 8192
WAYS = 16
HV = 1 << 16
BINMASK = NBIN - 1

_mesh = plsc.VectorSubcoreMesh(core_axis_name="c", subcore_axis_name="s")
_sc_params = pltpu.CompilerParams(needs_layout_passes=False)


def _keys(x16):
    return plsc.bitcast(x16 + 0.0, jnp.int32)


@functools.partial(
    pl.kernel,
    out_type=jax.ShapeDtypeStruct((NWORK * NPART,), jnp.int32),
    mesh=_mesh,
    compiler_params=_sc_params,
    scratch_types=[
        pltpu.VMEM((NPART,), jnp.int32),
        pltpu.VMEM((CH,), jnp.float32),
    ],
)
def _s1(x_ref, g_ref, hist, xin):
    c = lax.axis_index("c")
    s = lax.axis_index("s")
    wid = c * 16 + s
    base = wid * PERW

    def zero(i, _):
        hist[pl.ds(i * 16, 16)] = jnp.zeros((16,), jnp.int32)
        return 0
    lax.fori_loop(0, NPART // 16, zero, 0)

    def chunk(j, _):
        pltpu.sync_copy(x_ref.at[pl.ds(base + j * CH, CH)], xin)

        def vec(i, _):
            k = _keys(xin[pl.ds(i * 16, 16)])
            p = lax.shift_right_logical(k, 19)
            r, last = plsc.scan_count(p)
            plsc.addupdate_scatter(hist, [p], r.astype(jnp.int32), mask=last)
            return 0
        lax.fori_loop(0, CH // 16, vec, 0)
        return 0
    lax.fori_loop(0, NCH, chunk, 0)
    pltpu.sync_copy(hist, g_ref.at[pl.ds(wid * NPART, NPART)])


def _cumsum_last(t, n):
    sh = 1
    while sh < n:
        z = jnp.zeros(t.shape[:-1] + (sh,), t.dtype)
        t = t + jnp.concatenate([z, t[..., :-sh]], axis=-1)
        sh *= 2
    return t


def _s2_body(g_ref, b_ref, o_ref, t_ref):
    g = g_ref[...]
    tot = jnp.sum(g, axis=0, keepdims=True)
    tpad = (tot + 127) & ~127
    o = _cumsum_last(tpad, NPART) - tpad
    sh = 1
    acc = g
    while sh < NWORK:
        z = jnp.zeros((sh, NPART), jnp.int32)
        acc = acc + jnp.concatenate([z, acc[:-sh]], axis=0)
        sh *= 2
    b_ref[...] = acc - g + o
    o_ref[...] = o
    t_ref[...] = tot


def _s2(g):
    return pl.pallas_call(
        _s2_body,
        out_shape=[
            jax.ShapeDtypeStruct((NWORK, NPART), jnp.int32),
            jax.ShapeDtypeStruct((1, NPART), jnp.int32),
            jax.ShapeDtypeStruct((1, NPART), jnp.int32),
        ],
    )(g)


@functools.partial(
    pl.kernel,
    out_type=[
        jax.ShapeDtypeStruct((DSZ,), jnp.int32),
        jax.ShapeDtypeStruct((TOTAL,), jnp.int32),
    ],
    mesh=_mesh,
    compiler_params=_sc_params,
    scratch_types=[
        pltpu.VMEM((NPART,), jnp.int32),
        pltpu.VMEM((CH,), jnp.float32),
        pltpu.VMEM((CH,), jnp.int32),
        pltpu.VMEM((CH,), jnp.int32),
        pltpu.SemaphoreType.DMA,
    ],
)
def _s3(x_ref, bases_ref, dbin_ref, ddest_ref, cursor, xin, binb, destb, sem):
    c = lax.axis_index("c")
    s = lax.axis_index("s")
    wid = c * 16 + s
    base = wid * PERW

    pltpu.sync_copy(bases_ref.at[pl.ds(wid * NPART, NPART)], cursor)

    def chunk(j, _):
        pltpu.sync_copy(x_ref.at[pl.ds(base + j * CH, CH)], xin)

        def vec(i, _):
            k = _keys(xin[pl.ds(i * 16, 16)])
            p = lax.shift_right_logical(k, 19)
            b = k & BINMASK
            r, last = plsc.scan_count(p)
            r = r.astype(jnp.int32)
            cur = plsc.load_gather(cursor, [p])
            dest = cur + r - 1
            plsc.addupdate_scatter(cursor, [p], r, mask=last)
            destb[pl.ds(i * 16, 16)] = dest
            binb[pl.ds(i * 16, 16)] = b
            return 0
        lax.fori_loop(0, CH // 16, vec, 0)

        c1 = pltpu.async_copy(binb, dbin_ref.at[destb], sem)
        c2 = pltpu.async_copy(destb, ddest_ref.at[pl.ds(base + j * CH, CH)],
                              sem)
        c1.wait()
        c2.wait()
        return 0
    lax.fori_loop(0, NCH, chunk, 0)


@functools.partial(
    pl.kernel,
    out_type=jax.ShapeDtypeStruct((NWORK * DSZ,), jnp.int32),
    mesh=_mesh,
    compiler_params=_sc_params,
    scratch_types=[
        pltpu.VMEM((HV,), jnp.int32),
        pltpu.VMEM((NPART,), jnp.int32),
        pltpu.VMEM((NPART,), jnp.int32),
        pltpu.VMEM((NPART,), jnp.int32),
        pltpu.VMEM((16,), jnp.int32),
        pltpu.VMEM((CH4,), jnp.int32),
        pltpu.VMEM((CH4,), jnp.int32),
        pltpu.SemaphoreType.DMA,
    ],
)
def _s4(dbin_ref, o_ref, t_ref, ev_ref, od_ref, meta_ref,
        cgw_ref, histv, ovm, tvm, occvm, stepsvm, binin, cnt, sem):
    c = lax.axis_index("c")
    s = lax.axis_index("s")
    lanes = lax.iota(jnp.int32, 16)
    wbase = (c * 16 + s) * DSZ

    pltpu.sync_copy(o_ref, ovm)
    pltpu.sync_copy(t_ref, tvm)

    @pl.when(c == 0)
    def _():
        pltpu.sync_copy(ev_ref, occvm)

    @pl.when(c != 0)
    def _():
        pltpu.sync_copy(od_ref, occvm)

    pltpu.sync_copy(meta_ref, stepsvm)
    sv = stepsvm[pl.ds(0, 16)]
    steps = jnp.where(c == 0, sv[0], sv[1])

    def zero_hist():
        def z(i, _):
            histv[pl.ds(i * 16, 16)] = jnp.zeros((16,), jnp.int32)
            return 0
        lax.fori_loop(0, HV // 16, z, 0)
    zero_hist()

    def step_fn(t, _):
        tv = jnp.full((16,), t, jnp.int32)
        p = plsc.load_gather(occvm, [tv])[0]
        pv = jnp.full((16,), p, jnp.int32)
        o = plsc.load_gather(ovm, [pv])[0]
        n = plsc.load_gather(tvm, [pv])[0]
        nch = lax.shift_right_logical(n + CH4 - 1, 13)
        nch = jnp.where(lax.shift_right_logical(p, 1) % 2 ==
                        lax.shift_right_logical(s, 3), nch, 0)
        en = o + n

        def add_chunk(cc, _):
            cbase = pl.multiple_of(o + cc * CH4, 8)
            pltpu.sync_copy(dbin_ref.at[pl.ds(cbase, CH4)], binin)

            def vec(i, _):
                b = binin[pl.ds(i * 16, 16)] & BINMASK
                valid = (cbase + i * 16 + lanes) < en
                mine = ((b & 7) == (s & 7)) & valid
                bk = jnp.where(mine, b, NBIN + lanes)
                r, last = plsc.scan_count(bk)
                hi = lax.shift_right_logical(b, 3)
                plsc.addupdate_scatter(histv, [hi], r.astype(jnp.int32),
                                       mask=last & mine)
                return 0
            lax.fori_loop(0, CH4 // 16, vec, 0)
            return 0
        lax.fori_loop(0, nch, add_chunk, 0)

        def read_chunk(cc, _):
            cbase = pl.multiple_of(o + cc * CH4, 8)
            pltpu.sync_copy(dbin_ref.at[pl.ds(cbase, CH4)], binin)

            def vec(i, _):
                b = binin[pl.ds(i * 16, 16)] & BINMASK
                valid = (cbase + i * 16 + lanes) < en
                mine = ((b & 7) == (s & 7)) & valid
                hi = lax.shift_right_logical(b, 3)
                cv = plsc.load_gather(histv, [hi])
                cnt[pl.ds(i * 16, 16)] = jnp.where(mine, cv, 0)
                return 0
            lax.fori_loop(0, CH4 // 16, vec, 0)
            pltpu.sync_copy(cnt, cgw_ref.at[pl.ds(wbase + cbase, CH4)])
            return 0
        lax.fori_loop(0, nch, read_chunk, 0)
        zero_hist()
        return 0
    lax.fori_loop(0, steps, step_fn, 0)


@functools.partial(
    pl.kernel,
    out_type=jax.ShapeDtypeStruct((TOTAL,), jnp.int32),
    mesh=_mesh,
    compiler_params=_sc_params,
    scratch_types=[
        pltpu.VMEM((CH,), jnp.float32),
        pltpu.VMEM((CH,), jnp.int32),
        pltpu.VMEM((CH,), jnp.int32),
        pltpu.VMEM((CH,), jnp.int32),
        pltpu.SemaphoreType.DMA,
    ],
)
def _f(x_ref, ddest_ref, cgw_ref, c_ref, xin, destin, gidx, cnt, sem):
    c = lax.axis_index("c")
    s = lax.axis_index("s")
    wid = c * 16 + s
    base = wid * PERW
    lanes = lax.iota(jnp.int32, 16)

    def chunk(j, _):
        pltpu.sync_copy(x_ref.at[pl.ds(base + j * CH, CH)], xin)
        pltpu.sync_copy(ddest_ref.at[pl.ds(base + j * CH, CH)], destin)

        def vec(i, _):
            k = _keys(xin[pl.ds(i * 16, 16)])
            d = destin[pl.ds(i * 16, 16)]
            way = k & 7
            core = lax.shift_right_logical(k, 19) & 1
            group = lax.shift_right_logical(k, 20) & 1
            owner = core * 16 + group * 8 + way
            gidx[pl.ds(i * 16, 16)] = owner * DSZ + d
            return 0
        lax.fori_loop(0, CH // 16, vec, 0)
        pltpu.async_copy(cgw_ref.at[gidx], cnt, sem).wait()
        pltpu.sync_copy(cnt, c_ref.at[pl.ds(base + j * CH, CH)])
        return 0
    lax.fori_loop(0, NCH, chunk, 0)


def _s5_body(x_ref, c_ref, o_ref):
    xa = x_ref[0, 0, :, 0:96]
    xb = x_ref[0, 0, :, 96:192]
    xc = x_ref[0, 1, :, 0:96]
    xd = x_ref[0, 1, :, 96:192]
    ca = c_ref[0, 0, :, 0:96]
    cb = c_ref[0, 0, :, 96:192]
    cc = c_ref[0, 1, :, 0:96]
    cd = c_ref[0, 1, :, 96:192]
    v, m = xa, ca
    for cn, xn in ((cb, xb), (cc, xc), (cd, xd)):
        t = cn < m
        v = jnp.where(t, xn, v)
        m = jnp.where(t, cn, m)
    o_ref[0, 0] = v


def _s5(xv, cv):
    return pl.pallas_call(
        _s5_body,
        grid=(N, H // 2),
        in_specs=[
            pl.BlockSpec((1, 2, W // 2, 2 * C), lambda n, i: (n, i, 0, 0)),
            pl.BlockSpec((1, 2, W // 2, 2 * C), lambda n, i: (n, i, 0, 0)),
        ],
        out_specs=pl.BlockSpec((1, 1, W // 2, C), lambda n, i: (n, i, 0, 0)),
        out_shape=jax.ShapeDtypeStruct((N, H // 2, W // 2, C), jnp.float32),
    )(xv, cv)


def kernel(inputs):
    xf = inputs.reshape(-1)
    g = _s1(xf)
    bases, o, t = _s2(g.reshape(NWORK, NPART))
    t1 = t.reshape(-1)
    ids = jnp.arange(NPART, dtype=jnp.int32)
    occ_ev = (t1 > 0) & (ids % 2 == 0)
    occ_od = (t1 > 0) & (ids % 2 == 1)
    ev = jnp.argsort(jnp.where(occ_ev, 0, 1), stable=True).astype(jnp.int32)
    od = jnp.argsort(jnp.where(occ_od, 0, 1), stable=True).astype(jnp.int32)
    steps_ev = jnp.sum(occ_ev.astype(jnp.int32))
    steps_od = jnp.sum(occ_od.astype(jnp.int32))
    meta = jnp.stack([steps_ev, steps_od]).astype(jnp.int32)
    meta = jnp.concatenate([meta, jnp.zeros((14,), jnp.int32)])
    dbin, ddest = _s3(xf, bases.reshape(-1))
    cgw = _s4(dbin, o.reshape(-1), t1, ev, od, meta)
    cnt = _f(xf, ddest, cgw)
    xv = inputs.reshape(N, H, W // 2, 2 * C)
    cv = cnt.reshape(N, H, W // 2, 2 * C)
    return _s5(xv, cv)

# --- scband reference (transcript-rebuilt; emitter-appended) ---
"""Pipeline reference for scband-entropy-pool-layer-63419487093442 (READ-ONLY COPY).

The authoritative reference and input builder live on the scoring server;
editing this copy changes nothing except your own understanding.
"""

import jax, jax.numpy as jnp
import numpy as np


def setup_inputs(seed: int = 0) -> dict:
    key = jax.random.key(seed)
    x = jax.random.normal(key, (8, 224, 224, 96), dtype=jnp.float32)
    return {"inputs": x}


def _extract_windows(x, ph, pw, stride):
    # Faithful to flatten2: windows written in y-major, x-minor order, each
    # window is [N, ph, pw, C]; stacked -> [oh*ow, N, ph, pw, C], later viewed
    # as [oh, ow, N, ph*pw, C]. stride == ph == pw (non-overlapping), padding=0.
    N, H, W, C = x.shape
    oh = (H - ph) // stride + 1
    ow = (W - pw) // stride + 1
    xr = x.reshape(N, oh, ph, ow, pw, C)
    xr = jnp.transpose(xr, (1, 3, 0, 2, 4, 5))  # [oh, ow, N, ph, pw, C]
    return xr.reshape(oh, ow, N, ph * pw, C)


def reference(inputs):
    ph = pw = 2
    stride = 2
    padding = 0
    N, H, W, C = inputs.shape
    oh = (H + 2 * padding - ph) // stride + 1
    ow = (W + 2 * padding - pw) // stride + 1
    Xr = _extract_windows(inputs, ph, pw, stride)  # [oh, ow, N, ph*pw, C]
    flat = Xr.reshape(-1)
    # tf.unique_with_counts over the whole flattened tensor
    vals, inv, counts = jnp.unique(
        flat, return_inverse=True, return_counts=True,
        size=flat.shape[0], fill_value=0.0)
    inv = inv.reshape(-1)
    size = jnp.asarray(flat.shape[0], dtype=jnp.float32)
    x_counts = counts[inv].astype(jnp.float32)
    x_probs = x_counts / size
    x_entropies = -x_probs * jnp.log(x_probs)
    x_entropies = x_entropies.reshape(oh, ow, N, ph * pw, C)
    # mode == 'high' -> argmin over the window axis
    mi = jnp.argmin(x_entropies, axis=3)  # [oh, ow, N, C]
    pooled = jnp.take_along_axis(Xr, mi[:, :, :, None, :], axis=3)
    pooled = jnp.squeeze(pooled, axis=3)  # [oh, ow, N, C]
    # tf.transpose(entropy_pool, [2, 0, 1, 3]) -> [N, oh, ow, C]
    return jnp.transpose(pooled, (2, 0, 1, 3))

if __name__ == "__main__":
    import jax
    _d = setup_inputs()
    print(jax.jit(kernel)(*tuple(_d.values())))

</pallas_src>

<mosaic_0001>
#map = affine_map<(d0, d1) -> (0)>
module attributes {stable_mosaic.version = 14 : i64} {
  func.func @_s1(%arg0: i32, %arg1: i32, %arg2: memref<38535168xf32, #tpu.memory_space<hbm>>, %arg3: memref<262144xi32, #tpu.memory_space<hbm>>, %arg4: memref<8192xi32, #tpu.memory_space<vmem>>, %arg5: memref<2048xf32, #tpu.memory_space<vmem>>) attributes {dimension_semantics = [#tpu.dimension_semantics<core_parallel>, #tpu.dimension_semantics<subcore_parallel>], iteration_bounds = array<i64: 2, 16>, scalar_prefetch = 0 : i64, scratch_operands = 2 : i64, tpu.core_type = #tpu.core_type<sc_vector_subcore>, window_params = [{transform_indices = #map}, {transform_indices = #map}]} {
    %mul3A = arith.constant 16 : i32
    %mul3A_0 = arith.muli %arg0, %mul3A : i32
    %add3A = arith.addi %mul3A_0, %arg1 : i32
    %mul3A_1 = arith.constant 1204224 : i32
    %mul3A_2 = arith.muli %add3A, %mul3A_1 : i32
    %scan3A = arith.constant 0 : i32
    %scan3A_3 = arith.constant 0 : i32
    %scan3A_4 = arith.constant 512 : i32
    %scan3A_5 = arith.addi %scan3A_3, %scan3A_4 : i32
    %scan3A_6 = arith.constant 1 : i32
    %scan3A_7 = scf.for %scan3A_18 = %scan3A_3 to %scan3A_5 step %scan3A_6 iter_args(%scan3A_19 = %scan3A) -> (i32)  : i32 {
      %broadcast_in_dim3A = arith.constant 0 : i32
      %broadcast_in_dim3A_20 = vector.broadcast %broadcast_in_dim3A : i32 to vector<16xi32>
      %mul3A_21 = arith.constant 16 : i32
      %mul3A_22 = arith.muli %scan3A_18, %mul3A_21 : i32
      %swap3A = arith.index_cast %mul3A_22 : i32 to index
      %swap3A_23 = tpu.vector_load %arg4[%swap3A] {strides = array<i32>} : memref<8192xi32, #tpu.memory_space<vmem>>, vector<16xi32>,
      tpu.vector_store %arg4[%swap3A], %broadcast_in_dim3A_20 {strides = array<i32>} : memref<8192xi32, #tpu.memory_space<vmem>>, vector<16xi32>,
      %scan3A_24 = arith.constant 0 : i32
      scf.yield %scan3A_24 : i32
    }
    %scan3A_8 = arith.constant 512 : i32
    %scan3A_9 = arith.constant 0 : i32
    %scan3A_10 = arith.constant 0 : i32
    %scan3A_11 = arith.constant 588 : i32
    %scan3A_12 = arith.addi %scan3A_10, %scan3A_11 : i32
    %scan3A_13 = arith.constant 1 : i32
    %scan3A_14 = scf.for %scan3A_18 = %scan3A_10 to %scan3A_12 step %scan3A_13 iter_args(%scan3A_19 = %scan3A_9) -> (i32)  : i32 {
      %mul3A_20 = arith.constant 2048 : i32
      %mul3A_21 = arith.muli %scan3A_18, %mul3A_20 : i32
      %add3A_22 = arith.addi %mul3A_2, %mul3A_21 : i32
      "tpu.region"() ({
        %run_scoped3A = tpu.sem_alloc : memref<!tpu.dma_semaphore, #tpu.memory_space<semaphore_mem>>
        %dma_start3A = tpu.memref_slice %arg2[%add3A_22] : memref<38535168xf32, #tpu.memory_space<hbm>> -> memref<2048xf32, #tpu.memory_space<hbm>>
        %dma_start3A_31 = tpu.memref_slice %arg2[%add3A_22] : memref<38535168xf32, #tpu.memory_space<hbm>> -> memref<2048xf32, #tpu.memory_space<hbm>>
        tpu.enqueue_dma source(%dma_start3A_31 : memref<2048xf32, #tpu.memory_space<hbm>>) target(%arg5 : memref<2048xf32, #tpu.memory_space<vmem>>) target_semaphore(%run_scoped3A : memref<!tpu.dma_semaphore, #tpu.memory_space<semaphore_mem>>)
        %dma_wait3A = tpu.memref_slice %arg2[%add3A_22] : memref<38535168xf32, #tpu.memory_space<hbm>> -> memref<2048xf32, #tpu.memory_space<hbm>>
        %dma_wait3A_32 = tpu.memref_slice %arg2[%add3A_22] : memref<38535168xf32, #tpu.memory_space<hbm>> -> memref<2048xf32, #tpu.memory_space<hbm>>
        tpu.wait_dma2 semaphore(%run_scoped3A : memref<!tpu.dma_semaphore, #tpu.memory_space<semaphore_mem>>) src(%dma_wait3A_32 : memref<2048xf32, #tpu.memory_space<hbm>>) dst(%arg5 : memref<2048xf32, #tpu.memory_space<vmem>>)
        tpu.yield
      }) : () -> ()
      %scan3A_23 = arith.constant 0 : i32
      %scan3A_24 = arith.constant 0 : i32
      %scan3A_25 = arith.constant 128 : i32
      %scan3A_26 = arith.addi %scan3A_24, %scan3A_25 : i32
      %scan3A_27 = arith.constant 1 : i32
      %scan3A_28 = scf.for %scan3A_31 = %scan3A_24 to %scan3A_26 step %scan3A_27 iter_args(%scan3A_32 = %scan3A_23) -> (i32)  : i32 {
        %mul3A_33 = arith.constant 16 : i32
        %mul3A_34 = arith.muli %scan3A_31, %mul3A_33 : i32
        %get3A = arith.index_cast %mul3A_34 : i32 to index
        %get3A_35 = tpu.vector_load %arg5[%get3A] {strides = array<i32>} : memref<2048xf32, #tpu.memory_space<vmem>>, vector<16xf32>,
        %add3A_36 = arith.constant 0.000000e+00 : f32
        %add3A_37 = vector.broadcast %add3A_36 : f32 to vector<16xf32>
        %add3A_38 = arith.addf %get3A_35, %add3A_37 : vector<16xf32>
        %bitcast3A = vector.bitcast %add3A_38 : vector<16xf32> to vector<16xi32>
        %shift_right_logical3A = arith.constant 19 : i32
        %shift_right_logical3A_39 = vector.broadcast %shift_right_logical3A : i32 to vector<16xi32>
        %shift_right_logical3A_40 = arith.shrui %bitcast3A, %shift_right_logical3A_39 : vector<16xi32>
        %broadcast_in_dim3A = arith.constant true
        %broadcast_in_dim3A_41 = vector.broadcast %broadcast_in_dim3A : i1 to vector<16xi1>
        %unique3A, %unique3A_42 = tpu.scan_count mask(%broadcast_in_dim3A_41 : vector<16xi1>) value(%shift_right_logical3A_40 : vector<16xi32>) : vector<16xi1>, vector<16xi32>
        tpu.vector_store_idx %arg4[%shift_right_logical3A_40], %unique3A_42 masked %unique3A {add = true} : memref<8192xi32, #tpu.memory_space<vmem>>[vector<16xi32>], vector<16xi32>, vector<16xi1>
        %scan3A_43 = arith.constant 0 : i32
        scf.yield %scan3A_43 : i32
      }
      %scan3A_29 = arith.constant 128 : i32
      %scan3A_30 = arith.constant 0 : i32
      scf.yield %scan3A_30 : i32
    }
    %scan3A_15 = arith.constant 588 : i32
    %mul3A_16 = arith.constant 8192 : i32
    %mul3A_17 = arith.muli %add3A, %mul3A_16 : i32
    "tpu.region"() ({
      %run_scoped3A = tpu.sem_alloc : memref<!tpu.dma_semaphore, #tpu.memory_space<semaphore_mem>>
      %dma_start3A = tpu.memref_slice %arg3[%mul3A_17] : memref<262144xi32, #tpu.memory_space<hbm>> -> memref<8192xi32, #tpu.memory_space<hbm>>
      %dma_start3A_18 = tpu.memref_slice %arg3[%mul3A_17] : memref<262144xi32, #tpu.memory_space<hbm>> -> memref<8192xi32, #tpu.memory_space<hbm>>
      tpu.enqueue_dma source(%arg4 : memref<8192xi32, #tpu.memory_space<vmem>>) target(%dma_start3A_18 : memref<8192xi32, #tpu.memory_space<hbm>>) target_semaphore(%run_scoped3A : memref<!tpu.dma_semaphore, #tpu.memory_space<semaphore_mem>>)
      %dma_wait3A = tpu.memref_slice %arg3[%mul3A_17] : memref<262144xi32, #tpu.memory_space<hbm>> -> memref<8192xi32, #tpu.memory_space<hbm>>
      %dma_wait3A_19 = tpu.memref_slice %arg3[%mul3A_17] : memref<262144xi32, #tpu.memory_space<hbm>> -> memref<8192xi32, #tpu.memory_space<hbm>>
      tpu.wait_dma2 semaphore(%run_scoped3A : memref<!tpu.dma_semaphore, #tpu.memory_space<semaphore_mem>>) src(%arg4 : memref<8192xi32, #tpu.memory_space<vmem>>) dst(%dma_wait3A_19 : memref<8192xi32, #tpu.memory_space<hbm>>)
      tpu.yield
    }) : () -> ()
    return
  }
}

#map = affine_map<(d0, d1) -> (0)>
module attributes {stable_mosaic.version = 14 : i64} {
  func.func @_s3(%arg0: i32, %arg1: i32, %arg2: memref<38535168xf32, #tpu.memory_space<hbm>>, %arg3: memref<262144xi32, #tpu.memory_space<hbm>>, %arg4: memref<39591936xi32, #tpu.memory_space<hbm>>, %arg5: memref<38535168xi32, #tpu.memory_space<hbm>>, %arg6: memref<8192xi32, #tpu.memory_space<vmem>>, %arg7: memref<2048xf32, #tpu.memory_space<vmem>>, %arg8: memref<2048xi32, #tpu.memory_space<vmem>>, %arg9: memref<2048xi32, #tpu.memory_space<vmem>>, %arg10: memref<!tpu.dma_semaphore, #tpu.memory_space<semaphore_mem>>) attributes {dimension_semantics = [#tpu.dimension_semantics<core_parallel>, #tpu.dimension_semantics<subcore_parallel>], iteration_bounds = array<i64: 2, 16>, scalar_prefetch = 0 : i64, scratch_operands = 5 : i64, tpu.core_type = #tpu.core_type<sc_vector_subcore>, window_params = [{transform_indices = #map}, {transform_indices = #map}, {transform_indices = #map}, {transform_indices = #map}]} {
    %mul3A = arith.constant 16 : i32
    %mul3A_0 = arith.muli %arg0, %mul3A : i32
    %add3A = arith.addi %mul3A_0, %arg1 : i32
    %mul3A_1 = arith.constant 1204224 : i32
    %mul3A_2 = arith.muli %add3A, %mul3A_1 : i32
    %mul3A_3 = arith.constant 8192 : i32
    %mul3A_4 = arith.muli %add3A, %mul3A_3 : i32
    "tpu.region"() ({
      %run_scoped3A = tpu.sem_alloc : memref<!tpu.dma_semaphore, #tpu.memory_space<semaphore_mem>>
      %dma_start3A = tpu.memref_slice %arg3[%mul3A_4] : memref<262144xi32, #tpu.memory_space<hbm>> -> memref<8192xi32, #tpu.memory_space<hbm>>
      %dma_start3A_11 = tpu.memref_slice %arg3[%mul3A_4] : memref<262144xi32, #tpu.memory_space<hbm>> -> memref<8192xi32, #tpu.memory_space<hbm>>
      tpu.enqueue_dma source(%dma_start3A_11 : memref<8192xi32, #tpu.memory_space<hbm>>) target(%arg6 : memref<8192xi32, #tpu.memory_space<vmem>>) target_semaphore(%run_scoped3A : memref<!tpu.dma_semaphore, #tpu.memory_space<semaphore_mem>>)
      %dma_wait3A = tpu.memref_slice %arg3[%mul3A_4] : memref<262144xi32, #tpu.memory_space<hbm>> -> memref<8192xi32, #tpu.memory_space<hbm>>
      %dma_wait3A_12 = tpu.memref_slice %arg3[%mul3A_4] : memref<262144xi32, #tpu.memory_space<hbm>> -> memref<8192xi32, #tpu.memory_space<hbm>>
      tpu.wait_dma2 semaphore(%run_scoped3A : memref<!tpu.dma_semaphore, #tpu.memory_space<semaphore_mem>>) src(%dma_wait3A_12 : memref<8192xi32, #tpu.memory_space<hbm>>) dst(%arg6 : memref<8192xi32, #tpu.memory_space<vmem>>)
      tpu.yield
    }) : () -> ()
    %scan3A = arith.constant 0 : i32
    %scan3A_5 = arith.constant 0 : i32
    %scan3A_6 = arith.constant 588 : i32
    %scan3A_7 = arith.addi %scan3A_5, %scan3A_6 : i32
    %scan3A_8 = arith.constant 1 : i32
    %scan3A_9 = scf.for %scan3A_11 = %scan3A_5 to %scan3A_7 step %scan3A_8 iter_args(%scan3A_12 = %scan3A) -> (i32)  : i32 {
      %mul3A_13 = arith.constant 2048 : i32
      %mul3A_14 = arith.muli %scan3A_11, %mul3A_13 : i32
      %add3A_15 = arith.addi %mul3A_2, %mul3A_14 : i32
      "tpu.region"() ({
        %run_scoped3A = tpu.sem_alloc : memref<!tpu.dma_semaphore, #tpu.memory_space<semaphore_mem>>
        %dma_start3A_33 = tpu.memref_slice %arg2[%add3A_15] : memref<38535168xf32, #tpu.memory_space<hbm>> -> memref<2048xf32, #tpu.memory_space<hbm>>
        %dma_start3A_34 = tpu.memref_slice %arg2[%add3A_15] : memref<38535168xf32, #tpu.memory_space<hbm>> -> memref<2048xf32, #tpu.memory_space<hbm>>
        tpu.enqueue_dma source(%dma_start3A_34 : memref<2048xf32, #tpu.memory_space<hbm>>) target(%arg7 : memref<2048xf32, #tpu.memory_space<vmem>>) target_semaphore(%run_scoped3A : memref<!tpu.dma_semaphore, #tpu.memory_space<semaphore_mem>>)
        %dma_wait3A_35 = tpu.memref_slice %arg2[%add3A_15] : memref<38535168xf32, #tpu.memory_space<hbm>> -> memref<2048xf32, #tpu.memory_space<hbm>>
        %dma_wait3A_36 = tpu.memref_slice %arg2[%add3A_15] : memref<38535168xf32, #tpu.memory_space<hbm>> -> memref<2048xf32, #tpu.memory_space<hbm>>
        tpu.wait_dma2 semaphore(%run_scoped3A : memref<!tpu.dma_semaphore, #tpu.memory_space<semaphore_mem>>) src(%dma_wait3A_36 : memref<2048xf32, #tpu.memory_space<hbm>>) dst(%arg7 : memref<2048xf32, #tpu.memory_space<vmem>>)
        tpu.yield
      }) : () -> ()
      %scan3A_16 = arith.constant 0 : i32
      %scan3A_17 = arith.constant 0 : i32
      %scan3A_18 = arith.constant 128 : i32
      %scan3A_19 = arith.addi %scan3A_17, %scan3A_18 : i32
      %scan3A_20 = arith.constant 1 : i32
      %scan3A_21 = scf.for %scan3A_33 = %scan3A_17 to %scan3A_19 step %scan3A_20 iter_args(%scan3A_34 = %scan3A_16) -> (i32)  : i32 {
        %mul3A_35 = arith.constant 16 : i32
        %mul3A_36 = arith.muli %scan3A_33, %mul3A_35 : i32
        %get3A = arith.index_cast %mul3A_36 : i32 to index
        %get3A_37 = tpu.vector_load %arg7[%get3A] {strides = array<i32>} : memref<2048xf32, #tpu.memory_space<vmem>>, vector<16xf32>,
        %add3A_38 = arith.constant 0.000000e+00 : f32
        %add3A_39 = vector.broadcast %add3A_38 : f32 to vector<16xf32>
        %add3A_40 = arith.addf %get3A_37, %add3A_39 : vector<16xf32>
        %bitcast3A = vector.bitcast %add3A_40 : vector<16xf32> to vector<16xi32>
        %shift_right_logical3A = arith.constant 19 : i32
        %shift_right_logical3A_41 = vector.broadcast %shift_right_logical3A : i32 to vector<16xi32>
        %shift_right_logical3A_42 = arith.shrui %bitcast3A, %shift_right_logical3A_41 : vector<16xi32>
        %and3A = arith.constant 524287 : i32
        %and3A_43 = vector.broadcast %and3A : i32 to vector<16xi32>
        %and3A_44 = arith.andi %bitcast3A, %and3A_43 : vector<16xi32>
        %broadcast_in_dim3A = arith.constant true
        %broadcast_in_dim3A_45 = vector.broadcast %broadcast_in_dim3A : i1 to vector<16xi1>
        %unique3A, %unique3A_46 = tpu.scan_count mask(%broadcast_in_dim3A_45 : vector<16xi1>) value(%shift_right_logical3A_42 : vector<16xi32>) : vector<16xi1>, vector<16xi32>
        %gather3A = tpu.vector_load_idx %arg6[%shift_right_logical3A_42] : memref<8192xi32, #tpu.memory_space<vmem>>[vector<16xi32>], vector<16xi32>,
        %add3A_47 = arith.addi %gather3A, %unique3A_46 : vector<16xi32>
        %sub3A = arith.constant 1 : i32
        %sub3A_48 = vector.broadcast %sub3A : i32 to vector<16xi32>
        %sub3A_49 = arith.subi %add3A_47, %sub3A_48 : vector<16xi32>
        tpu.vector_store_idx %arg6[%shift_right_logical3A_42], %unique3A_46 masked %unique3A {add = true} : memref<8192xi32, #tpu.memory_space<vmem>>[vector<16xi32>], vector<16xi32>, vector<16xi1>
        %mul3A_50 = arith.constant 16 : i32
        %mul3A_51 = arith.muli %scan3A_33, %mul3A_50 : i32
        %swap3A = arith.index_cast %mul3A_51 : i32 to index
        %swap3A_52 = tpu.vector_load %arg9[%swap3A] {strides = array<i32>} : memref<2048xi32, #tpu.memory_space<vmem>>, vector<16xi32>,
        tpu.vector_store %arg9[%swap3A], %sub3A_49 {strides = array<i32>} : memref<2048xi32, #tpu.memory_space<vmem>>, vector<16xi32>,
        %mul3A_53 = arith.constant 16 : i32
        %mul3A_54 = arith.muli %scan3A_33, %mul3A_53 : i32
        %swap3A_55 = arith.index_cast %mul3A_54 : i32 to index
        %swap3A_56 = tpu.vector_load %arg8[%swap3A_55] {strides = array<i32>} : memref<2048xi32, #tpu.memory_space<vmem>>, vector<16xi32>,
        tpu.vector_store %arg8[%swap3A_55], %and3A_44 {strides = array<i32>} : memref<2048xi32, #tpu.memory_space<vmem>>, vector<16xi32>,
        %scan3A_57 = arith.constant 0 : i32
        scf.yield %scan3A_57 : i32
      }
      %scan3A_22 = arith.constant 128 : i32
      %dma_start3A = arith.constant 0 : i32
      %dma_start3A_23 = tpu.memref_slice %arg4[%dma_start3A] : memref<39591936xi32, #tpu.memory_space<hbm>> -> memref<39591936xi32, #tpu.memory_space<hbm>>
      tpu.enqueue_indirect_dma source(%arg8 : memref<2048xi32, #tpu.memory_space<vmem>>) target(%dma_start3A_23 : memref<39591936xi32, #tpu.memory_space<hbm>>) offsets(%arg9 : memref<2048xi32, #tpu.memory_space<vmem>>) semaphore(%arg10 : memref<!tpu.dma_semaphore, #tpu.memory_space<semaphore_mem>>)
      %mul3A_24 = arith.constant 2048 : i32
      %mul3A_25 = arith.muli %scan3A_11, %mul3A_24 : i32
      %add3A_26 = arith.addi %mul3A_2, %mul3A_25 : i32
      %dma_start3A_27 = tpu.memref_slice %arg5[%add3A_26] : memref<38535168xi32, #tpu.memory_space<hbm>> -> memref<2048xi32, #tpu.memory_space<hbm>>
      %dma_start3A_28 = tpu.memref_slice %arg5[%add3A_26] : memref<38535168xi32, #tpu.memory_space<hbm>> -> memref<2048xi32, #tpu.memory_space<hbm>>
      tpu.enqueue_dma source(%arg9 : memref<2048xi32, #tpu.memory_space<vmem>>) target(%dma_start3A_28 : memref<2048xi32, #tpu.memory_space<hbm>>) target_semaphore(%arg10 : memref<!tpu.dma_semaphore, #tpu.memory_space<semaphore_mem>>)
      %dma_wait3A = arith.constant 0 : i32
      %dma_wait3A_29 = tpu.memref_slice %arg4[%dma_wait3A] : memref<39591936xi32, #tpu.memory_space<hbm>> -> memref<39591936xi32, #tpu.memory_space<hbm>>
      tpu.wait_indirect_dma semaphore(%arg10 : memref<!tpu.dma_semaphore, #tpu.memory_space<semaphore_mem>>) src(%arg8 : memref<2048xi32, #tpu.memory_space<vmem>>) dst(%dma_wait3A_29 : memref<39591936xi32, #tpu.memory_space<hbm>>)
      %dma_wait3A_30 = tpu.memref_slice %arg5[%add3A_26] : memref<38535168xi32, #tpu.memory_space<hbm>> -> memref<2048xi32, #tpu.memory_space<hbm>>
      %dma_wait3A_31 = tpu.memref_slice %arg5[%add3A_26] : memref<38535168xi32, #tpu.memory_space<hbm>> -> memref<2048xi32, #tpu.memory_space<hbm>>
      tpu.wait_dma2 semaphore(%arg10 : memref<!tpu.dma_semaphore, #tpu.memory_space<semaphore_mem>>) src(%arg9 : memref<2048xi32, #tpu.memory_space<vmem>>) dst(%dma_wait3A_31 : memref<2048xi32, #tpu.memory_space<hbm>>)
      %scan3A_32 = arith.constant 0 : i32
      scf.yield %scan3A_32 : i32
    }
    %scan3A_10 = arith.constant 588 : i32
    return
  }
}

#map = affine_map<(d0, d1) -> (0)>
module attributes {stable_mosaic.version = 14 : i64} {
  func.func @_f(%arg0: i32, %arg1: i32, %arg2: memref<38535168xf32, #tpu.memory_space<hbm>>, %arg3: memref<38535168xi32, #tpu.memory_space<hbm>>, %arg4: memref<1266941952xi32, #tpu.memory_space<hbm>>, %arg5: memref<38535168xi32, #tpu.memory_space<hbm>>, %arg6: memref<2048xf32, #tpu.memory_space<vmem>>, %arg7: memref<2048xi32, #tpu.memory_space<vmem>>, %arg8: memref<2048xi32, #tpu.memory_space<vmem>>, %arg9: memref<2048xi32, #tpu.memory_space<vmem>>, %arg10: memref<!tpu.dma_semaphore, #tpu.memory_space<semaphore_mem>>) attributes {dimension_semantics = [#tpu.dimension_semantics<core_parallel>, #tpu.dimension_semantics<subcore_parallel>], iteration_bounds = array<i64: 2, 16>, scalar_prefetch = 0 : i64, scratch_operands = 5 : i64, tpu.core_type = #tpu.core_type<sc_vector_subcore>, window_params = [{transform_indices = #map}, {transform_indices = #map}, {transform_indices = #map}, {transform_indices = #map}]} {
    %mul3A = arith.constant 16 : i32
    %mul3A_0 = arith.muli %arg0, %mul3A : i32
    %add3A = arith.addi %mul3A_0, %arg1 : i32
    %mul3A_1 = arith.constant 1204224 : i32
    %mul3A_2 = arith.muli %add3A, %mul3A_1 : i32
    %iota3A = tpu.iota {dimensions = array<i32: 0>} : vector<16xi32>
    %scan3A = arith.constant 0 : i32
    %scan3A_3 = arith.constant 0 : i32
    %scan3A_4 = arith.constant 588 : i32
    %scan3A_5 = arith.addi %scan3A_3, %scan3A_4 : i32
    %scan3A_6 = arith.constant 1 : i32
    %scan3A_7 = scf.for %scan3A_9 = %scan3A_3 to %scan3A_5 step %scan3A_6 iter_args(%scan3A_10 = %scan3A) -> (i32)  : i32 {
      %mul3A_11 = arith.constant 2048 : i32
      %mul3A_12 = arith.muli %scan3A_9, %mul3A_11 : i32
      %add3A_13 = arith.addi %mul3A_2, %mul3A_12 : i32
      "tpu.region"() ({
        %run_scoped3A = tpu.sem_alloc : memref<!tpu.dma_semaphore, #tpu.memory_space<semaphore_mem>>
        %dma_start3A_30 = tpu.memref_slice %arg2[%add3A_13] : memref<38535168xf32, #tpu.memory_space<hbm>> -> memref<2048xf32, #tpu.memory_space<hbm>>
        %dma_start3A_31 = tpu.memref_slice %arg2[%add3A_13] : memref<38535168xf32, #tpu.memory_space<hbm>> -> memref<2048xf32, #tpu.memory_space<hbm>>
        tpu.enqueue_dma source(%dma_start3A_31 : memref<2048xf32, #tpu.memory_space<hbm>>) target(%arg6 : memref<2048xf32, #tpu.memory_space<vmem>>) target_semaphore(%run_scoped3A : memref<!tpu.dma_semaphore, #tpu.memory_space<semaphore_mem>>)
        %dma_wait3A_32 = tpu.memref_slice %arg2[%add3A_13] : memref<38535168xf32, #tpu.memory_space<hbm>> -> memref<2048xf32, #tpu.memory_space<hbm>>
        %dma_wait3A_33 = tpu.memref_slice %arg2[%add3A_13] : memref<38535168xf32, #tpu.memory_space<hbm>> -> memref<2048xf32, #tpu.memory_space<hbm>>
        tpu.wait_dma2 semaphore(%run_scoped3A : memref<!tpu.dma_semaphore, #tpu.memory_space<semaphore_mem>>) src(%dma_wait3A_33 : memref<2048xf32, #tpu.memory_space<hbm>>) dst(%arg6 : memref<2048xf32, #tpu.memory_space<vmem>>)
        tpu.yield
      }) : () -> ()
      %mul3A_14 = arith.constant 2048 : i32
      %mul3A_15 = arith.muli %scan3A_9, %mul3A_14 : i32
      %add3A_16 = arith.addi %mul3A_2, %mul3A_15 : i32
      "tpu.region"() ({
        %run_scoped3A = tpu.sem_alloc : memref<!tpu.dma_semaphore, #tpu.memory_space<semaphore_mem>>
        %dma_start3A_30 = tpu.memref_slice %arg3[%add3A_16] : memref<38535168xi32, #tpu.memory_space<hbm>> -> memref<2048xi32, #tpu.memory_space<hbm>>
        %dma_start3A_31 = tpu.memref_slice %arg3[%add3A_16] : memref<38535168xi32, #tpu.memory_space<hbm>> -> memref<2048xi32, #tpu.memory_space<hbm>>
        tpu.enqueue_dma source(%dma_start3A_31 : memref<2048xi32, #tpu.memory_space<hbm>>) target(%arg7 : memref<2048xi32, #tpu.memory_space<vmem>>) target_semaphore(%run_scoped3A : memref<!tpu.dma_semaphore, #tpu.memory_space<semaphore_mem>>)
        %dma_wait3A_32 = tpu.memref_slice %arg3[%add3A_16] : memref<38535168xi32, #tpu.memory_space<hbm>> -> memref<2048xi32, #tpu.memory_space<hbm>>
        %dma_wait3A_33 = tpu.memref_slice %arg3[%add3A_16] : memref<38535168xi32, #tpu.memory_space<hbm>> -> memref<2048xi32, #tpu.memory_space<hbm>>
        tpu.wait_dma2 semaphore(%run_scoped3A : memref<!tpu.dma_semaphore, #tpu.memory_space<semaphore_mem>>) src(%dma_wait3A_33 : memref<2048xi32, #tpu.memory_space<hbm>>) dst(%arg7 : memref<2048xi32, #tpu.memory_space<vmem>>)
        tpu.yield
      }) : () -> ()
      %scan3A_17 = arith.constant 0 : i32
      %scan3A_18 = arith.constant 0 : i32
      %scan3A_19 = arith.constant 128 : i32
      %scan3A_20 = arith.addi %scan3A_18, %scan3A_19 : i32
      %scan3A_21 = arith.constant 1 : i32
      %scan3A_22 = scf.for %scan3A_30 = %scan3A_18 to %scan3A_20 step %scan3A_21 iter_args(%scan3A_31 = %scan3A_17) -> (i32)  : i32 {
        %mul3A_32 = arith.constant 16 : i32
        %mul3A_33 = arith.muli %scan3A_30, %mul3A_32 : i32
        %get3A = arith.index_cast %mul3A_33 : i32 to index
        %get3A_34 = tpu.vector_load %arg6[%get3A] {strides = array<i32>} : memref<2048xf32, #tpu.memory_space<vmem>>, vector<16xf32>,
        %add3A_35 = arith.constant 0.000000e+00 : f32
        %add3A_36 = vector.broadcast %add3A_35 : f32 to vector<16xf32>
        %add3A_37 = arith.addf %get3A_34, %add3A_36 : vector<16xf32>
        %bitcast3A = vector.bitcast %add3A_37 : vector<16xf32> to vector<16xi32>
        %mul3A_38 = arith.constant 16 : i32
        %mul3A_39 = arith.muli %scan3A_30, %mul3A_38 : i32
        %get3A_40 = arith.index_cast %mul3A_39 : i32 to index
        %get3A_41 = tpu.vector_load %arg7[%get3A_40] {strides = array<i32>} : memref<2048xi32, #tpu.memory_space<vmem>>, vector<16xi32>,
        %and3A = arith.constant 7 : i32
        %and3A_42 = vector.broadcast %and3A : i32 to vector<16xi32>
        %and3A_43 = arith.andi %bitcast3A, %and3A_42 : vector<16xi32>
        %shift_right_logical3A = arith.constant 19 : i32
        %shift_right_logical3A_44 = vector.broadcast %shift_right_logical3A : i32 to vector<16xi32>
        %shift_right_logical3A_45 = arith.shrui %bitcast3A, %shift_right_logical3A_44 : vector<16xi32>
        %and3A_46 = arith.constant 1 : i32
        %and3A_47 = vector.broadcast %and3A_46 : i32 to vector<16xi32>
        %and3A_48 = arith.andi %shift_right_logical3A_45, %and3A_47 : vector<16xi32>
        %shift_right_logical3A_49 = arith.constant 20 : i32
        %shift_right_logical3A_50 = vector.broadcast %shift_right_logical3A_49 : i32 to vector<16xi32>
        %shift_right_logical3A_51 = arith.shrui %bitcast3A, %shift_right_logical3A_50 : vector<16xi32>
        %and3A_52 = arith.constant 1 : i32
        %and3A_53 = vector.broadcast %and3A_52 : i32 to vector<16xi32>
        %and3A_54 = arith.andi %shift_right_logical3A_51, %and3A_53 : vector<16xi32>
        %mul3A_55 = arith.constant 16 : i32
        %mul3A_56 = vector.broadcast %mul3A_55 : i32 to vector<16xi32>
        %mul3A_57 = arith.muli %and3A_48, %mul3A_56 : vector<16xi32>
        %mul3A_58 = arith.constant 8 : i32
        %mul3A_59 = vector.broadcast %mul3A_58 : i32 to vector<16xi32>
        %mul3A_60 = arith.muli %and3A_54, %mul3A_59 : vector<16xi32>
        %add3A_61 = arith.addi %mul3A_57, %mul3A_60 : vector<16xi32>
        %add3A_62 = arith.addi %add3A_61, %and3A_43 : vector<16xi32>
        %mul3A_63 = arith.constant 39591936 : i32
        %mul3A_64 = vector.broadcast %mul3A_63 : i32 to vector<16xi32>
        %mul3A_65 = arith.muli %add3A_62, %mul3A_64 : vector<16xi32>
        %add3A_66 = arith.addi %mul3A_65, %get3A_41 : vector<16xi32>
        %mul3A_67 = arith.constant 16 : i32
        %mul3A_68 = arith.muli %scan3A_30, %mul3A_67 : i32
        %swap3A = arith.index_cast %mul3A_68 : i32 to index
        %swap3A_69 = tpu.vector_load %arg8[%swap3A] {strides = array<i32>} : memref<2048xi32, #tpu.memory_space<vmem>>, vector<16xi32>,
        tpu.vector_store %arg8[%swap3A], %add3A_66 {strides = array<i32>} : memref<2048xi32, #tpu.memory_space<vmem>>, vector<16xi32>,
        %scan3A_70 = arith.constant 0 : i32
        scf.yield %scan3A_70 : i32
      }
      %scan3A_23 = arith.constant 128 : i32
      %dma_start3A = arith.constant 0 : i32
      %dma_start3A_24 = tpu.memref_slice %arg4[%dma_start3A] : memref<1266941952xi32, #tpu.memory_space<hbm>> -> memref<1266941952xi32, #tpu.memory_space<hbm>>
      tpu.enqueue_indirect_dma source(%dma_start3A_24 : memref<1266941952xi32, #tpu.memory_space<hbm>>) target(%arg9 : memref<2048xi32, #tpu.memory_space<vmem>>) offsets(%arg8 : memref<2048xi32, #tpu.memory_space<vmem>>) semaphore(%arg10 : memref<!tpu.dma_semaphore, #tpu.memory_space<semaphore_mem>>)
      %dma_wait3A = arith.constant 0 : i32
      %dma_wait3A_25 = tpu.memref_slice %arg4[%dma_wait3A] : memref<1266941952xi32, #tpu.memory_space<hbm>> -> memref<1266941952xi32, #tpu.memory_space<hbm>>
      tpu.wait_indirect_dma semaphore(%arg10 : memref<!tpu.dma_semaphore, #tpu.memory_space<semaphore_mem>>) src(%dma_wait3A_25 : memref<1266941952xi32, #tpu.memory_space<hbm>>) dst(%arg9 : memref<2048xi32, #tpu.memory_space<vmem>>)
      %mul3A_26 = arith.constant 2048 : i32
      %mul3A_27 = arith.muli %scan3A_9, %mul3A_26 : i32
      %add3A_28 = arith.addi %mul3A_2, %mul3A_27 : i32
      "tpu.region"() ({
        %run_scoped3A = tpu.sem_alloc : memref<!tpu.dma_semaphore, #tpu.memory_space<semaphore_mem>>
        %dma_start3A_30 = tpu.memref_slice %arg5[%add3A_28] : memref<38535168xi32, #tpu.memory_space<hbm>> -> memref<2048xi32, #tpu.memory_space<hbm>>
        %dma_start3A_31 = tpu.memref_slice %arg5[%add3A_28] : memref<38535168xi32, #tpu.memory_space<hbm>> -> memref<2048xi32, #tpu.memory_space<hbm>>
        tpu.enqueue_dma source(%arg9 : memref<2048xi32, #tpu.memory_space<vmem>>) target(%dma_start3A_31 : memref<2048xi32, #tpu.memory_space<hbm>>) target_semaphore(%run_scoped3A : memref<!tpu.dma_semaphore, #tpu.memory_space<semaphore_mem>>)
        %dma_wait3A_32 = tpu.memref_slice %arg5[%add3A_28] : memref<38535168xi32, #tpu.memory_space<hbm>> -> memref<2048xi32, #tpu.memory_space<hbm>>
        %dma_wait3A_33 = tpu.memref_slice %arg5[%add3A_28] : memref<38535168xi32, #tpu.memory_space<hbm>> -> memref<2048xi32, #tpu.memory_space<hbm>>
        tpu.wait_dma2 semaphore(%run_scoped3A : memref<!tpu.dma_semaphore, #tpu.memory_space<semaphore_mem>>) src(%arg9 : memref<2048xi32, #tpu.memory_space<vmem>>) dst(%dma_wait3A_33 : memref<2048xi32, #tpu.memory_space<hbm>>)
        tpu.yield
      }) : () -> ()
      %scan3A_29 = arith.constant 0 : i32
      scf.yield %scan3A_29 : i32
    }
    %scan3A_8 = arith.constant 588 : i32
    return
  }
}

#map = affine_map<(d0, d1) -> (0)>
module attributes {stable_mosaic.version = 14 : i64} {
  func.func @_s4(%arg0: i32, %arg1: i32, %arg2: memref<39591936xi32, #tpu.memory_space<hbm>>, %arg3: memref<8192xi32, #tpu.memory_space<hbm>>, %arg4: memref<8192xi32, #tpu.memory_space<hbm>>, %arg5: memref<8192xi32, #tpu.memory_space<hbm>>, %arg6: memref<8192xi32, #tpu.memory_space<hbm>>, %arg7: memref<16xi32, #tpu.memory_space<hbm>>, %arg8: memref<1266941952xi32, #tpu.memory_space<hbm>>, %arg9: memref<65536xi32, #tpu.memory_space<vmem>>, %arg10: memref<8192xi32, #tpu.memory_space<vmem>>, %arg11: memref<8192xi32, #tpu.memory_space<vmem>>, %arg12: memref<8192xi32, #tpu.memory_space<vmem>>, %arg13: memref<16xi32, #tpu.memory_space<vmem>>, %arg14: memref<8192xi32, #tpu.memory_space<vmem>>, %arg15: memref<8192xi32, #tpu.memory_space<vmem>>, %arg16: memref<!tpu.dma_semaphore, #tpu.memory_space<semaphore_mem>>) attributes {dimension_semantics = [#tpu.dimension_semantics<core_parallel>, #tpu.dimension_semantics<subcore_parallel>], iteration_bounds = array<i64: 2, 16>, scalar_prefetch = 0 : i64, scratch_operands = 8 : i64, tpu.core_type = #tpu.core_type<sc_vector_subcore>, window_params = [{transform_indices = #map}, {transform_indices = #map}, {transform_indices = #map}, {transform_indices = #map}, {transform_indices = #map}, {transform_indices = #map}, {transform_indices = #map}]} {
    %iota3A = tpu.iota {dimensions = array<i32: 0>} : vector<16xi32>
    %mul3A = arith.constant 16 : i32
    %mul3A_0 = arith.muli %arg0, %mul3A : i32
    %add3A = arith.addi %mul3A_0, %arg1 : i32
    %mul3A_1 = arith.constant 39591936 : i32
    %mul3A_2 = arith.muli %add3A, %mul3A_1 : i32
    "tpu.region"() ({
      %run_scoped3A = tpu.sem_alloc : memref<!tpu.dma_semaphore, #tpu.memory_space<semaphore_mem>>
      tpu.enqueue_dma source(%arg3 : memref<8192xi32, #tpu.memory_space<hbm>>) target(%arg10 : memref<8192xi32, #tpu.memory_space<vmem>>) target_semaphore(%run_scoped3A : memref<!tpu.dma_semaphore, #tpu.memory_space<semaphore_mem>>)
      tpu.wait_dma2 semaphore(%run_scoped3A : memref<!tpu.dma_semaphore, #tpu.memory_space<semaphore_mem>>) src(%arg3 : memref<8192xi32, #tpu.memory_space<hbm>>) dst(%arg10 : memref<8192xi32, #tpu.memory_space<vmem>>)
      tpu.yield
    }) : () -> ()
    "tpu.region"() ({
      %run_scoped3A = tpu.sem_alloc : memref<!tpu.dma_semaphore, #tpu.memory_space<semaphore_mem>>
      tpu.enqueue_dma source(%arg4 : memref<8192xi32, #tpu.memory_space<hbm>>) target(%arg11 : memref<8192xi32, #tpu.memory_space<vmem>>) target_semaphore(%run_scoped3A : memref<!tpu.dma_semaphore, #tpu.memory_space<semaphore_mem>>)
      tpu.wait_dma2 semaphore(%run_scoped3A : memref<!tpu.dma_semaphore, #tpu.memory_space<semaphore_mem>>) src(%arg4 : memref<8192xi32, #tpu.memory_space<hbm>>) dst(%arg11 : memref<8192xi32, #tpu.memory_space<vmem>>)
      tpu.yield
    }) : () -> ()
    %eq3A = arith.constant 0 : i32
    %eq3A_3 = arith.cmpi eq, %arg0, %eq3A : i32
    %convert_element_type3A = arith.extui %eq3A_3 : i1 to i32
    %cond3A = arith.constant 0 : i32
    %cond3A_4 = arith.cmpi ne, %convert_element_type3A, %cond3A : i32
    scf.if %cond3A_4 {
      "tpu.region"() ({
        %run_scoped3A = tpu.sem_alloc : memref<!tpu.dma_semaphore, #tpu.memory_space<semaphore_mem>>
        tpu.enqueue_dma source(%arg5 : memref<8192xi32, #tpu.memory_space<hbm>>) target(%arg12 : memref<8192xi32, #tpu.memory_space<vmem>>) target_semaphore(%run_scoped3A : memref<!tpu.dma_semaphore, #tpu.memory_space<semaphore_mem>>)
        tpu.wait_dma2 semaphore(%run_scoped3A : memref<!tpu.dma_semaphore, #tpu.memory_space<semaphore_mem>>) src(%arg5 : memref<8192xi32, #tpu.memory_space<hbm>>) dst(%arg12 : memref<8192xi32, #tpu.memory_space<vmem>>)
        tpu.yield
      }) : () -> ()
    } else {
    }
    %ne3A = arith.constant 0 : i32
    %ne3A_5 = arith.cmpi ne, %arg0, %ne3A : i32
    %convert_element_type3A_6 = arith.extui %ne3A_5 : i1 to i32
    %cond3A_7 = arith.constant 0 : i32
    %cond3A_8 = arith.cmpi ne, %convert_element_type3A_6, %cond3A_7 : i32
    scf.if %cond3A_8 {
      "tpu.region"() ({
        %run_scoped3A = tpu.sem_alloc : memref<!tpu.dma_semaphore, #tpu.memory_space<semaphore_mem>>
        tpu.enqueue_dma source(%arg6 : memref<8192xi32, #tpu.memory_space<hbm>>) target(%arg12 : memref<8192xi32, #tpu.memory_space<vmem>>) target_semaphore(%run_scoped3A : memref<!tpu.dma_semaphore, #tpu.memory_space<semaphore_mem>>)
        tpu.wait_dma2 semaphore(%run_scoped3A : memref<!tpu.dma_semaphore, #tpu.memory_space<semaphore_mem>>) src(%arg6 : memref<8192xi32, #tpu.memory_space<hbm>>) dst(%arg12 : memref<8192xi32, #tpu.memory_space<vmem>>)
        tpu.yield
      }) : () -> ()
    } else {
    }
    "tpu.region"() ({
      %run_scoped3A = tpu.sem_alloc : memref<!tpu.dma_semaphore, #tpu.memory_space<semaphore_mem>>
      tpu.enqueue_dma source(%arg7 : memref<16xi32, #tpu.memory_space<hbm>>) target(%arg13 : memref<16xi32, #tpu.memory_space<vmem>>) target_semaphore(%run_scoped3A : memref<!tpu.dma_semaphore, #tpu.memory_space<semaphore_mem>>)
      tpu.wait_dma2 semaphore(%run_scoped3A : memref<!tpu.dma_semaphore, #tpu.memory_space<semaphore_mem>>) src(%arg7 : memref<16xi32, #tpu.memory_space<hbm>>) dst(%arg13 : memref<16xi32, #tpu.memory_space<vmem>>)
      tpu.yield
    }) : () -> ()
    %get3A = arith.constant 0 : index
    %get3A_9 = tpu.vector_load %arg13[%get3A] {strides = array<i32>} : memref<16xi32, #tpu.memory_space<vmem>>, vector<16xi32>,
    %eq3A_10 = arith.constant 0 : i32
    %eq3A_11 = arith.cmpi eq, %arg0, %eq3A_10 : i32
    %slice3A = vector.extract_strided_slice %get3A_9 {offsets = [0], sizes = [1], strides = [1]} : vector<16xi32> to vector<1xi32>
    %squeeze3A = vector.extract %slice3A[0] : i32 from vector<1xi32>
    %slice3A_12 = vector.extract_strided_slice %get3A_9 {offsets = [1], sizes = [1], strides = [1]} : vector<16xi32> to vector<1xi32>
    %squeeze3A_13 = vector.extract %slice3A_12[0] : i32 from vector<1xi32>
    %select_n3A = arith.select %eq3A_11, %squeeze3A, %squeeze3A_13 : i32
    %scan3A = arith.constant 0 : i32
    %scan3A_14 = arith.constant 0 : i32
    %scan3A_15 = arith.constant 4096 : i32
    %scan3A_16 = arith.addi %scan3A_14, %scan3A_15 : i32
    %scan3A_17 = arith.constant 1 : i32
    %scan3A_18 = scf.for %scan3A_31 = %scan3A_14 to %scan3A_16 step %scan3A_17 iter_args(%scan3A_32 = %scan3A) -> (i32)  : i32 {
      %broadcast_in_dim3A = arith.constant 0 : i32
      %broadcast_in_dim3A_33 = vector.broadcast %broadcast_in_dim3A : i32 to vector<16xi32>
      %mul3A_34 = arith.constant 16 : i32
      %mul3A_35 = arith.muli %scan3A_31, %mul3A_34 : i32
      %swap3A = arith.index_cast %mul3A_35 : i32 to index
      %swap3A_36 = tpu.vector_load %arg9[%swap3A] {strides = array<i32>} : memref<65536xi32, #tpu.memory_space<vmem>>, vector<16xi32>,
      tpu.vector_store %arg9[%swap3A], %broadcast_in_dim3A_33 {strides = array<i32>} : memref<65536xi32, #tpu.memory_space<vmem>>, vector<16xi32>,
      %scan3A_37 = arith.constant 0 : i32
      scf.yield %scan3A_37 : i32
    }
    %scan3A_19 = arith.constant 4096 : i32
    %while3A = arith.constant 0 : i32
    %while3A_20 = arith.constant 0 : i32
    %while3A_21 = arith.subi %select_n3A, %while3A : i32
    %while3A_22 = arith.addi %while3A, %while3A_21 : i32
    %while3A_23 = arith.constant 1 : i32
    %while3A_24 = arith.divsi %while3A_21, %while3A_23 : i32
    %while3A_25 = arith.muli %while3A_24, %while3A_23 : i32
    %while3A_26 = arith.addi %while3A, %while3A_25 : i32
    %while3A_27 = arith.constant 1 : i32
    %while3A_28 = scf.for %while3A_31 = %while3A to %while3A_26 step %while3A_27 iter_args(%while3A_32 = %while3A_20) -> (i32)  : i32 {
      %broadcast_in_dim3A = vector.broadcast %while3A_31 : i32 to vector<16xi32>
      %gather3A = tpu.vector_load_idx %arg12[%broadcast_in_dim3A] : memref<8192xi32, #tpu.memory_space<vmem>>[vector<16xi32>], vector<16xi32>,
      %slice3A_33 = vector.extract_strided_slice %gather3A {offsets = [0], sizes = [1], strides = [1]} : vector<16xi32> to vector<1xi32>
      %squeeze3A_34 = vector.extract %slice3A_33[0] : i32 from vector<1xi32>
      %broadcast_in_dim3A_35 = vector.broadcast %squeeze3A_34 : i32 to vector<16xi32>
      %gather3A_36 = tpu.vector_load_idx %arg10[%broadcast_in_dim3A_35] : memref<8192xi32, #tpu.memory_space<vmem>>[vector<16xi32>], vector<16xi32>,
      %slice3A_37 = vector.extract_strided_slice %gather3A_36 {offsets = [0], sizes = [1], strides = [1]} : vector<16xi32> to vector<1xi32>
      %squeeze3A_38 = vector.extract %slice3A_37[0] : i32 from vector<1xi32>
      %gather3A_39 = tpu.vector_load_idx %arg11[%broadcast_in_dim3A_35] : memref<8192xi32, #tpu.memory_space<vmem>>[vector<16xi32>], vector<16xi32>,
      %slice3A_40 = vector.extract_strided_slice %gather3A_39 {offsets = [0], sizes = [1], strides = [1]} : vector<16xi32> to vector<1xi32>
      %squeeze3A_41 = vector.extract %slice3A_40[0] : i32 from vector<1xi32>
      %add3A_42 = arith.constant 8192 : i32
      %add3A_43 = arith.addi %squeeze3A_41, %add3A_42 : i32
      %sub3A = arith.constant 1 : i32
      %sub3A_44 = arith.subi %add3A_43, %sub3A : i32
      %shift_right_logical3A = arith.constant 13 : i32
      %shift_right_logical3A_45 = arith.shrui %sub3A_44, %shift_right_logical3A : i32
      %shift_right_logical3A_46 = arith.constant 1 : i32
      %shift_right_logical3A_47 = arith.shrui %squeeze3A_34, %shift_right_logical3A_46 : i32
      %jit3A = arith.constant 2 : i32
      %eq3A_48 = arith.constant 0 : i32
      %eq3A_49 = arith.cmpi eq, %jit3A, %eq3A_48 : i32
      %jit3A_50 = arith.constant 1 : i32
      %select_n3A_51 = arith.select %eq3A_49, %jit3A_50, %jit3A : i32
      %rem3A = arith.remsi %shift_right_logical3A_47, %select_n3A_51 : i32
      %ne3A_52 = arith.constant 0 : i32
      %ne3A_53 = arith.cmpi ne, %rem3A, %ne3A_52 : i32
      %lt3A = arith.constant 0 : i32
      %lt3A_54 = arith.cmpi slt, %rem3A, %lt3A : i32
      %lt3A_55 = arith.constant 0 : i32
      %lt3A_56 = arith.cmpi slt, %select_n3A_51, %lt3A_55 : i32
      %ne3A_57 = arith.xori %lt3A_54, %lt3A_56 : i1
      %and3A = arith.andi %ne3A_57, %ne3A_53 : i1
      %add3A_58 = arith.addi %rem3A, %select_n3A_51 : i32
      %select_n3A_59 = arith.select %and3A, %add3A_58, %rem3A : i32
      %shift_right_logical3A_60 = arith.constant 3 : i32
      %shift_right_logical3A_61 = arith.shrui %arg1, %shift_right_logical3A_60 : i32
      %eq3A_62 = arith.cmpi eq, %select_n3A_59, %shift_right_logical3A_61 : i32
      %jit3A_63 = arith.constant 0 : i32
      %select_n3A_64 = arith.select %eq3A_62, %shift_right_logical3A_45, %jit3A_63 : i32
      %add3A_65 = arith.addi %squeeze3A_38, %squeeze3A_41 : i32
      %while3A_66 = arith.constant 0 : i32
      %while3A_67 = arith.constant 0 : i32
      %while3A_68 = arith.subi %select_n3A_64, %while3A_66 : i32
      %while3A_69 = arith.addi %while3A_66, %while3A_68 : i32
      %while3A_70 = arith.constant 1 : i32
      %while3A_71 = arith.divsi %while3A_68, %while3A_70 : i32
      %while3A_72 = arith.muli %while3A_71, %while3A_70 : i32
      %while3A_73 = arith.addi %while3A_66, %while3A_72 : i32
      %while3A_74 = arith.constant 1 : i32
      %while3A_75 = scf.for %while3A_98 = %while3A_66 to %while3A_73 step %while3A_74 iter_args(%while3A_99 = %while3A_67) -> (i32)  : i32 {
        %mul3A_100 = arith.constant 8192 : i32
        %mul3A_101 = arith.muli %while3A_98, %mul3A_100 : i32
        %add3A_102 = arith.addi %squeeze3A_38, %mul3A_101 : i32
        %multiple_of3A = tpu.assume_multiple %add3A_102, 8 : i32
        "tpu.region"() ({
          %run_scoped3A = tpu.sem_alloc : memref<!tpu.dma_semaphore, #tpu.memory_space<semaphore_mem>>
          %dma_start3A = tpu.memref_slice %arg2[%multiple_of3A] : memref<39591936xi32, #tpu.memory_space<hbm>> -> memref<8192xi32, #tpu.memory_space<hbm>>
          %dma_start3A_111 = tpu.memref_slice %arg2[%multiple_of3A] : memref<39591936xi32, #tpu.memory_space<hbm>> -> memref<8192xi32, #tpu.memory_space<hbm>>
          tpu.enqueue_dma source(%dma_start3A_111 : memref<8192xi32, #tpu.memory_space<hbm>>) target(%arg14 : memref<8192xi32, #tpu.memory_space<vmem>>) target_semaphore(%run_scoped3A : memref<!tpu.dma_semaphore, #tpu.memory_space<semaphore_mem>>)
          %dma_wait3A = tpu.memref_slice %arg2[%multiple_of3A] : memref<39591936xi32, #tpu.memory_space<hbm>> -> memref<8192xi32, #tpu.memory_space<hbm>>
          %dma_wait3A_112 = tpu.memref_slice %arg2[%multiple_of3A] : memref<39591936xi32, #tpu.memory_space<hbm>> -> memref<8192xi32, #tpu.memory_space<hbm>>
          tpu.wait_dma2 semaphore(%run_scoped3A : memref<!tpu.dma_semaphore, #tpu.memory_space<semaphore_mem>>) src(%dma_wait3A_112 : memref<8192xi32, #tpu.memory_space<hbm>>) dst(%arg14 : memref<8192xi32, #tpu.memory_space<vmem>>)
          tpu.yield
        }) : () -> ()
        %scan3A_103 = arith.constant 0 : i32
        %scan3A_104 = arith.constant 0 : i32
        %scan3A_105 = arith.constant 512 : i32
        %scan3A_106 = arith.addi %scan3A_104, %scan3A_105 : i32
        %scan3A_107 = arith.constant 1 : i32
        %scan3A_108 = scf.for %scan3A_111 = %scan3A_104 to %scan3A_106 step %scan3A_107 iter_args(%scan3A_112 = %scan3A_103) -> (i32)  : i32 {
          %mul3A_113 = arith.constant 16 : i32
          %mul3A_114 = arith.muli %scan3A_111, %mul3A_113 : i32
          %get3A_115 = arith.index_cast %mul3A_114 : i32 to index
          %get3A_116 = tpu.vector_load %arg14[%get3A_115] {strides = array<i32>} : memref<8192xi32, #tpu.memory_space<vmem>>, vector<16xi32>,
          %and3A_117 = arith.constant 524287 : i32
          %and3A_118 = vector.broadcast %and3A_117 : i32 to vector<16xi32>
          %and3A_119 = arith.andi %get3A_116, %and3A_118 : vector<16xi32>
          %mul3A_120 = arith.constant 16 : i32
          %mul3A_121 = arith.muli %scan3A_111, %mul3A_120 : i32
          %add3A_122 = arith.addi %multiple_of3A, %mul3A_121 : i32
          %add3A_123 = vector.broadcast %add3A_122 : i32 to vector<16xi32>
          %add3A_124 = arith.addi %add3A_123, %iota3A : vector<16xi32>
          %lt3A_125 = vector.broadcast %add3A_65 : i32 to vector<16xi32>
          %lt3A_126 = arith.cmpi slt, %add3A_124, %lt3A_125 : vector<16xi32>
          %and3A_127 = arith.constant 7 : i32
          %and3A_128 = vector.broadcast %and3A_127 : i32 to vector<16xi32>
          %and3A_129 = arith.andi %and3A_119, %and3A_128 : vector<16xi32>
          %and3A_130 = arith.constant 7 : i32
          %and3A_131 = arith.andi %arg1, %and3A_130 : i32
          %eq3A_132 = vector.broadcast %and3A_131 : i32 to vector<16xi32>
          %eq3A_133 = arith.cmpi eq, %and3A_129, %eq3A_132 : vector<16xi32>
          %and3A_134 = arith.andi %eq3A_133, %lt3A_126 : vector<16xi1>
          %add3A_135 = arith.constant 524288 : i32
          %add3A_136 = vector.broadcast %add3A_135 : i32 to vector<16xi32>
          %add3A_137 = arith.addi %add3A_136, %iota3A : vector<16xi32>
          %select_n3A_138 = arith.select %and3A_134, %and3A_119, %add3A_137 : vector<16xi1>, vector<16xi32>
          %broadcast_in_dim3A_139 = arith.constant true
          %broadcast_in_dim3A_140 = vector.broadcast %broadcast_in_dim3A_139 : i1 to vector<16xi1>
          %unique3A, %unique3A_141 = tpu.scan_count mask(%broadcast_in_dim3A_140 : vector<16xi1>) value(%select_n3A_138 : vector<16xi32>) : vector<16xi1>, vector<16xi32>
          %shift_right_logical3A_142 = arith.constant 3 : i32
          %shift_right_logical3A_143 = vector.broadcast %shift_right_logical3A_142 : i32 to vector<16xi32>
          %shift_right_logical3A_144 = arith.shrui %and3A_119, %shift_right_logical3A_143 : vector<16xi32>
          %and3A_145 = arith.andi %unique3A, %and3A_134 : vector<16xi1>
          tpu.vector_store_idx %arg9[%shift_right_logical3A_144], %unique3A_141 masked %and3A_145 {add = true} : memref<65536xi32, #tpu.memory_space<vmem>>[vector<16xi32>], vector<16xi32>, vector<16xi1>
          %scan3A_146 = arith.constant 0 : i32
          scf.yield %scan3A_146 : i32
        }
        %scan3A_109 = arith.constant 512 : i32
        %while3A_110 = arith.constant 0 : i32
        scf.yield %while3A_110 : i32
      }
      %while3A_76 = arith.constant 1 : i32
      %while3A_77 = scf.for %while3A_98 = %while3A_73 to %while3A_69 step %while3A_76 iter_args(%while3A_99 = %while3A_75) -> (i32)  : i32 {
        %mul3A_100 = arith.constant 8192 : i32
        %mul3A_101 = arith.muli %while3A_98, %mul3A_100 : i32
        %add3A_102 = arith.addi %squeeze3A_38, %mul3A_101 : i32
        %multiple_of3A = tpu.assume_multiple %add3A_102, 8 : i32
        "tpu.region"() ({
          %run_scoped3A = tpu.sem_alloc : memref<!tpu.dma_semaphore, #tpu.memory_space<semaphore_mem>>
          %dma_start3A = tpu.memref_slice %arg2[%multiple_of3A] : memref<39591936xi32, #tpu.memory_space<hbm>> -> memref<8192xi32, #tpu.memory_space<hbm>>
          %dma_start3A_111 = tpu.memref_slice %arg2[%multiple_of3A] : memref<39591936xi32, #tpu.memory_space<hbm>> -> memref<8192xi32, #tpu.memory_space<hbm>>
          tpu.enqueue_dma source(%dma_start3A_111 : memref<8192xi32, #tpu.memory_space<hbm>>) target(%arg14 : memref<8192xi32, #tpu.memory_space<vmem>>) target_semaphore(%run_scoped3A : memref<!tpu.dma_semaphore, #tpu.memory_space<semaphore_mem>>)
          %dma_wait3A = tpu.memref_slice %arg2[%multiple_of3A] : memref<39591936xi32, #tpu.memory_space<hbm>> -> memref<8192xi32, #tpu.memory_space<hbm>>
          %dma_wait3A_112 = tpu.memref_slice %arg2[%multiple_of3A] : memref<39591936xi32, #tpu.memory_space<hbm>> -> memref<8192xi32, #tpu.memory_space<hbm>>
          tpu.wait_dma2 semaphore(%run_scoped3A : memref<!tpu.dma_semaphore, #tpu.memory_space<semaphore_mem>>) src(%dma_wait3A_112 : memref<8192xi32, #tpu.memory_space<hbm>>) dst(%arg14 : memref<8192xi32, #tpu.memory_space<vmem>>)
          tpu.yield
        }) : () -> ()
        %scan3A_103 = arith.constant 0 : i32
        %scan3A_104 = arith.constant 0 : i32
        %scan3A_105 = arith.constant 512 : i32
        %scan3A_106 = arith.addi %scan3A_104, %scan3A_105 : i32
        %scan3A_107 = arith.constant 1 : i32
        %scan3A_108 = scf.for %scan3A_111 = %scan3A_104 to %scan3A_106 step %scan3A_107 iter_args(%scan3A_112 = %scan3A_103) -> (i32)  : i32 {
          %mul3A_113 = arith.constant 16 : i32
          %mul3A_114 = arith.muli %scan3A_111, %mul3A_113 : i32
          %get3A_115 = arith.index_cast %mul3A_114 : i32 to index
          %get3A_116 = tpu.vector_load %arg14[%get3A_115] {strides = array<i32>} : memref<8192xi32, #tpu.memory_space<vmem>>, vector<16xi32>,
          %and3A_117 = arith.constant 524287 : i32
          %and3A_118 = vector.broadcast %and3A_117 : i32 to vector<16xi32>
          %and3A_119 = arith.andi %get3A_116, %and3A_118 : vector<16xi32>
          %mul3A_120 = arith.constant 16 : i32
          %mul3A_121 = arith.muli %scan3A_111, %mul3A_120 : i32
          %add3A_122 = arith.addi %multiple_of3A, %mul3A_121 : i32
          %add3A_123 = vector.broadcast %add3A_122 : i32 to vector<16xi32>
          %add3A_124 = arith.addi %add3A_123, %iota3A : vector<16xi32>
          %lt3A_125 = vector.broadcast %add3A_65 : i32 to vector<16xi32>
          %lt3A_126 = arith.cmpi slt, %add3A_124, %lt3A_125 : vector<16xi32>
          %and3A_127 = arith.constant 7 : i32
          %and3A_128 = vector.broadcast %and3A_127 : i32 to vector<16xi32>
          %and3A_129 = arith.andi %and3A_119, %and3A_128 : vector<16xi32>
          %and3A_130 = arith.constant 7 : i32
          %and3A_131 = arith.andi %arg1, %and3A_130 : i32
          %eq3A_132 = vector.broadcast %and3A_131 : i32 to vector<16xi32>
          %eq3A_133 = arith.cmpi eq, %and3A_129, %eq3A_132 : vector<16xi32>
          %and3A_134 = arith.andi %eq3A_133, %lt3A_126 : vector<16xi1>
          %add3A_135 = arith.constant 524288 : i32
          %add3A_136 = vector.broadcast %add3A_135 : i32 to vector<16xi32>
          %add3A_137 = arith.addi %add3A_136, %iota3A : vector<16xi32>
          %select_n3A_138 = arith.select %and3A_134, %and3A_119, %add3A_137 : vector<16xi1>, vector<16xi32>
          %broadcast_in_dim3A_139 = arith.constant true
          %broadcast_in_dim3A_140 = vector.broadcast %broadcast_in_dim3A_139 : i1 to vector<16xi1>
          %unique3A, %unique3A_141 = tpu.scan_count mask(%broadcast_in_dim3A_140 : vector<16xi1>) value(%select_n3A_138 : vector<16xi32>) : vector<16xi1>, vector<16xi32>
          %shift_right_logical3A_142 = arith.constant 3 : i32
          %shift_right_logical3A_143 = vector.broadcast %shift_right_logical3A_142 : i32 to vector<16xi32>
          %shift_right_logical3A_144 = arith.shrui %and3A_119, %shift_right_logical3A_143 : vector<16xi32>
          %and3A_145 = arith.andi %unique3A, %and3A_134 : vector<16xi1>
          tpu.vector_store_idx %arg9[%shift_right_logical3A_144], %unique3A_141 masked %and3A_145 {add = true} : memref<65536xi32, #tpu.memory_space<vmem>>[vector<16xi32>], vector<16xi32>, vector<16xi1>
          %scan3A_146 = arith.constant 0 : i32
          scf.yield %scan3A_146 : i32
        }
        %scan3A_109 = arith.constant 512 : i32
        %while3A_110 = arith.constant 0 : i32
        scf.yield %while3A_110 : i32
      }
      %while3A_78 = arith.constant 0 : i32
      %while3A_79 = arith.constant 0 : i32
      %while3A_80 = arith.subi %select_n3A_64, %while3A_78 : i32
      %while3A_81 = arith.addi %while3A_78, %while3A_80 : i32
      %while3A_82 = arith.constant 1 : i32
      %while3A_83 = arith.divsi %while3A_80, %while3A_82 : i32
      %while3A_84 = arith.muli %while3A_83, %while3A_82 : i32
      %while3A_85 = arith.addi %while3A_78, %while3A_84 : i32
      %while3A_86 = arith.constant 1 : i32
      %while3A_87 = scf.for %while3A_98 = %while3A_78 to %while3A_85 step %while3A_86 iter_args(%while3A_99 = %while3A_79) -> (i32)  : i32 {
        %mul3A_100 = arith.constant 8192 : i32
        %mul3A_101 = arith.muli %while3A_98, %mul3A_100 : i32
        %add3A_102 = arith.addi %squeeze3A_38, %mul3A_101 : i32
        %multiple_of3A = tpu.assume_multiple %add3A_102, 8 : i32
        "tpu.region"() ({
          %run_scoped3A = tpu.sem_alloc : memref<!tpu.dma_semaphore, #tpu.memory_space<semaphore_mem>>
          %dma_start3A = tpu.memref_slice %arg2[%multiple_of3A] : memref<39591936xi32, #tpu.memory_space<hbm>> -> memref<8192xi32, #tpu.memory_space<hbm>>
          %dma_start3A_112 = tpu.memref_slice %arg2[%multiple_of3A] : memref<39591936xi32, #tpu.memory_space<hbm>> -> memref<8192xi32, #tpu.memory_space<hbm>>
          tpu.enqueue_dma source(%dma_start3A_112 : memref<8192xi32, #tpu.memory_space<hbm>>) target(%arg14 : memref<8192xi32, #tpu.memory_space<vmem>>) target_semaphore(%run_scoped3A : memref<!tpu.dma_semaphore, #tpu.memory_space<semaphore_mem>>)
          %dma_wait3A = tpu.memref_slice %arg2[%multiple_of3A] : memref<39591936xi32, #tpu.memory_space<hbm>> -> memref<8192xi32, #tpu.memory_space<hbm>>
          %dma_wait3A_113 = tpu.memref_slice %arg2[%multiple_of3A] : memref<39591936xi32, #tpu.memory_space<hbm>> -> memref<8192xi32, #tpu.memory_space<hbm>>
          tpu.wait_dma2 semaphore(%run_scoped3A : memref<!tpu.dma_semaphore, #tpu.memory_space<semaphore_mem>>) src(%dma_wait3A_113 : memref<8192xi32, #tpu.memory_space<hbm>>) dst(%arg14 : memref<8192xi32, #tpu.memory_space<vmem>>)
          tpu.yield
        }) : () -> ()
        %scan3A_103 = arith.constant 0 : i32
        %scan3A_104 = arith.constant 0 : i32
        %scan3A_105 = arith.constant 512 : i32
        %scan3A_106 = arith.addi %scan3A_104, %scan3A_105 : i32
        %scan3A_107 = arith.constant 1 : i32
        %scan3A_108 = scf.for %scan3A_112 = %scan3A_104 to %scan3A_106 step %scan3A_107 iter_args(%scan3A_113 = %scan3A_103) -> (i32)  : i32 {
          %mul3A_114 = arith.constant 16 : i32
          %mul3A_115 = arith.muli %scan3A_112, %mul3A_114 : i32
          %get3A_116 = arith.index_cast %mul3A_115 : i32 to index
          %get3A_117 = tpu.vector_load %arg14[%get3A_116] {strides = array<i32>} : memref<8192xi32, #tpu.memory_space<vmem>>, vector<16xi32>,
          %and3A_118 = arith.constant 524287 : i32
          %and3A_119 = vector.broadcast %and3A_118 : i32 to vector<16xi32>
          %and3A_120 = arith.andi %get3A_117, %and3A_119 : vector<16xi32>
          %mul3A_121 = arith.constant 16 : i32
          %mul3A_122 = arith.muli %scan3A_112, %mul3A_121 : i32
          %add3A_123 = arith.addi %multiple_of3A, %mul3A_122 : i32
          %add3A_124 = vector.broadcast %add3A_123 : i32 to vector<16xi32>
          %add3A_125 = arith.addi %add3A_124, %iota3A : vector<16xi32>
          %lt3A_126 = vector.broadcast %add3A_65 : i32 to vector<16xi32>
          %lt3A_127 = arith.cmpi slt, %add3A_125, %lt3A_126 : vector<16xi32>
          %and3A_128 = arith.constant 7 : i32
          %and3A_129 = vector.broadcast %and3A_128 : i32 to vector<16xi32>
          %and3A_130 = arith.andi %and3A_120, %and3A_129 : vector<16xi32>
          %and3A_131 = arith.constant 7 : i32
          %and3A_132 = arith.andi %arg1, %and3A_131 : i32
          %eq3A_133 = vector.broadcast %and3A_132 : i32 to vector<16xi32>
          %eq3A_134 = arith.cmpi eq, %and3A_130, %eq3A_133 : vector<16xi32>
          %and3A_135 = arith.andi %eq3A_134, %lt3A_127 : vector<16xi1>
          %shift_right_logical3A_136 = arith.constant 3 : i32
          %shift_right_logical3A_137 = vector.broadcast %shift_right_logical3A_136 : i32 to vector<16xi32>
          %shift_right_logical3A_138 = arith.shrui %and3A_120, %shift_right_logical3A_137 : vector<16xi32>
          %gather3A_139 = tpu.vector_load_idx %arg9[%shift_right_logical3A_138] : memref<65536xi32, #tpu.memory_space<vmem>>[vector<16xi32>], vector<16xi32>,
          %jit3A_140 = arith.constant 0 : i32
          %broadcast_in_dim3A_141 = vector.broadcast %jit3A_140 : i32 to vector<16xi32>
          %select_n3A_142 = arith.select %and3A_135, %gather3A_139, %broadcast_in_dim3A_141 : vector<16xi1>, vector<16xi32>
          %mul3A_143 = arith.constant 16 : i32
          %mul3A_144 = arith.muli %scan3A_112, %mul3A_143 : i32
          %swap3A = arith.index_cast %mul3A_144 : i32 to index
          %swap3A_145 = tpu.vector_load %arg15[%swap3A] {strides = array<i32>} : memref<8192xi32, #tpu.memory_space<vmem>>, vector<16xi32>,
          tpu.vector_store %arg15[%swap3A], %select_n3A_142 {strides = array<i32>} : memref<8192xi32, #tpu.memory_space<vmem>>, vector<16xi32>,
          %scan3A_146 = arith.constant 0 : i32
          scf.yield %scan3A_146 : i32
        }
        %scan3A_109 = arith.constant 512 : i32
        %add3A_110 = arith.addi %mul3A_2, %multiple_of3A : i32
        "tpu.region"() ({
          %run_scoped3A = tpu.sem_alloc : memref<!tpu.dma_semaphore, #tpu.memory_space<semaphore_mem>>
          %dma_start3A = tpu.memref_slice %arg8[%add3A_110] : memref<1266941952xi32, #tpu.memory_space<hbm>> -> memref<8192xi32, #tpu.memory_space<hbm>>
          %dma_start3A_112 = tpu.memref_slice %arg8[%add3A_110] : memref<1266941952xi32, #tpu.memory_space<hbm>> -> memref<8192xi32, #tpu.memory_space<hbm>>
          tpu.enqueue_dma source(%arg15 : memref<8192xi32, #tpu.memory_space<vmem>>) target(%dma_start3A_112 : memref<8192xi32, #tpu.memory_space<hbm>>) target_semaphore(%run_scoped3A : memref<!tpu.dma_semaphore, #tpu.memory_space<semaphore_mem>>)
          %dma_wait3A = tpu.memref_slice %arg8[%add3A_110] : memref<1266941952xi32, #tpu.memory_space<hbm>> -> memref<8192xi32, #tpu.memory_space<hbm>>
          %dma_wait3A_113 = tpu.memref_slice %arg8[%add3A_110] : memref<1266941952xi32, #tpu.memory_space<hbm>> -> memref<8192xi32, #tpu.memory_space<hbm>>
          tpu.wait_dma2 semaphore(%run_scoped3A : memref<!tpu.dma_semaphore, #tpu.memory_space<semaphore_mem>>) src(%arg15 : memref<8192xi32, #tpu.memory_space<vmem>>) dst(%dma_wait3A_113 : memref<8192xi32, #tpu.memory_space<hbm>>)
          tpu.yield
        }) : () -> ()
        %while3A_111 = arith.constant 0 : i32
        scf.yield %while3A_111 : i32
      }
      %while3A_88 = arith.constant 1 : i32
      %while3A_89 = scf.for %while3A_98 = %while3A_85 to %while3A_81 step %while3A_88 iter_args(%while3A_99 = %while3A_87) -> (i32)  : i32 {
        %mul3A_100 = arith.constant 8192 : i32
        %mul3A_101 = arith.muli %while3A_98, %mul3A_100 : i32
        %add3A_102 = arith.addi %squeeze3A_38, %mul3A_101 : i32
        %multiple_of3A = tpu.assume_multiple %add3A_102, 8 : i32
        "tpu.region"() ({
          %run_scoped3A = tpu.sem_alloc : memref<!tpu.dma_semaphore, #tpu.memory_space<semaphore_mem>>
          %dma_start3A = tpu.memref_slice %arg2[%multiple_of3A] : memref<39591936xi32, #tpu.memory_space<hbm>> -> memref<8192xi32, #tpu.memory_space<hbm>>
          %dma_start3A_112 = tpu.memref_slice %arg2[%multiple_of3A] : memref<39591936xi32, #tpu.memory_space<hbm>> -> memref<8192xi32, #tpu.memory_space<hbm>>
          tpu.enqueue_dma source(%dma_start3A_112 : memref<8192xi32, #tpu.memory_space<hbm>>) target(%arg14 : memref<8192xi32, #tpu.memory_space<vmem>>) target_semaphore(%run_scoped3A : memref<!tpu.dma_semaphore, #tpu.memory_space<semaphore_mem>>)
          %dma_wait3A = tpu.memref_slice %arg2[%multiple_of3A] : memref<39591936xi32, #tpu.memory_space<hbm>> -> memref<8192xi32, #tpu.memory_space<hbm>>
          %dma_wait3A_113 = tpu.memref_slice %arg2[%multiple_of3A] : memref<39591936xi32, #tpu.memory_space<hbm>> -> memref<8192xi32, #tpu.memory_space<hbm>>
          tpu.wait_dma2 semaphore(%run_scoped3A : memref<!tpu.dma_semaphore, #tpu.memory_space<semaphore_mem>>) src(%dma_wait3A_113 : memref<8192xi32, #tpu.memory_space<hbm>>) dst(%arg14 : memref<8192xi32, #tpu.memory_space<vmem>>)
          tpu.yield
        }) : () -> ()
        %scan3A_103 = arith.constant 0 : i32
        %scan3A_104 = arith.constant 0 : i32
        %scan3A_105 = arith.constant 512 : i32
        %scan3A_106 = arith.addi %scan3A_104, %scan3A_105 : i32
        %scan3A_107 = arith.constant 1 : i32
        %scan3A_108 = scf.for %scan3A_112 = %scan3A_104 to %scan3A_106 step %scan3A_107 iter_args(%scan3A_113 = %scan3A_103) -> (i32)  : i32 {
          %mul3A_114 = arith.constant 16 : i32
          %mul3A_115 = arith.muli %scan3A_112, %mul3A_114 : i32
          %get3A_116 = arith.index_cast %mul3A_115 : i32 to index
          %get3A_117 = tpu.vector_load %arg14[%get3A_116] {strides = array<i32>} : memref<8192xi32, #tpu.memory_space<vmem>>, vector<16xi32>,
          %and3A_118 = arith.constant 524287 : i32
          %and3A_119 = vector.broadcast %and3A_118 : i32 to vector<16xi32>
          %and3A_120 = arith.andi %get3A_117, %and3A_119 : vector<16xi32>
          %mul3A_121 = arith.constant 16 : i32
          %mul3A_122 = arith.muli %scan3A_112, %mul3A_121 : i32
          %add3A_123 = arith.addi %multiple_of3A, %mul3A_122 : i32
          %add3A_124 = vector.broadcast %add3A_123 : i32 to vector<16xi32>
          %add3A_125 = arith.addi %add3A_124, %iota3A : vector<16xi32>
          %lt3A_126 = vector.broadcast %add3A_65 : i32 to vector<16xi32>
          %lt3A_127 = arith.cmpi slt, %add3A_125, %lt3A_126 : vector<16xi32>
          %and3A_128 = arith.constant 7 : i32
          %and3A_129 = vector.broadcast %and3A_128 : i32 to vector<16xi32>
          %and3A_130 = arith.andi %and3A_120, %and3A_129 : vector<16xi32>
          %and3A_131 = arith.constant 7 : i32
          %and3A_132 = arith.andi %arg1, %and3A_131 : i32
          %eq3A_133 = vector.broadcast %and3A_132 : i32 to vector<16xi32>
          %eq3A_134 = arith.cmpi eq, %and3A_130, %eq3A_133 : vector<16xi32>
          %and3A_135 = arith.andi %eq3A_134, %lt3A_127 : vector<16xi1>
          %shift_right_logical3A_136 = arith.constant 3 : i32
          %shift_right_logical3A_137 = vector.broadcast %shift_right_logical3A_136 : i32 to vector<16xi32>
          %shift_right_logical3A_138 = arith.shrui %and3A_120, %shift_right_logical3A_137 : vector<16xi32>
          %gather3A_139 = tpu.vector_load_idx %arg9[%shift_right_logical3A_138] : memref<65536xi32, #tpu.memory_space<vmem>>[vector<16xi32>], vector<16xi32>,
          %jit3A_140 = arith.constant 0 : i32
          %broadcast_in_dim3A_141 = vector.broadcast %jit3A_140 : i32 to vector<16xi32>
          %select_n3A_142 = arith.select %and3A_135, %gather3A_139, %broadcast_in_dim3A_141 : vector<16xi1>, vector<16xi32>
          %mul3A_143 = arith.constant 16 : i32
          %mul3A_144 = arith.muli %scan3A_112, %mul3A_143 : i32
          %swap3A = arith.index_cast %mul3A_144 : i32 to index
          %swap3A_145 = tpu.vector_load %arg15[%swap3A] {strides = array<i32>} : memref<8192xi32, #tpu.memory_space<vmem>>, vector<16xi32>,
          tpu.vector_store %arg15[%swap3A], %select_n3A_142 {strides = array<i32>} : memref<8192xi32, #tpu.memory_space<vmem>>, vector<16xi32>,
          %scan3A_146 = arith.constant 0 : i32
          scf.yield %scan3A_146 : i32
        }
        %scan3A_109 = arith.constant 512 : i32
        %add3A_110 = arith.addi %mul3A_2, %multiple_of3A : i32
        "tpu.region"() ({
          %run_scoped3A = tpu.sem_alloc : memref<!tpu.dma_semaphore, #tpu.memory_space<semaphore_mem>>
          %dma_start3A = tpu.memref_slice %arg8[%add3A_110] : memref<1266941952xi32, #tpu.memory_space<hbm>> -> memref<8192xi32, #tpu.memory_space<hbm>>
          %dma_start3A_112 = tpu.memref_slice %arg8[%add3A_110] : memref<1266941952xi32, #tpu.memory_space<hbm>> -> memref<8192xi32, #tpu.memory_space<hbm>>
          tpu.enqueue_dma source(%arg15 : memref<8192xi32, #tpu.memory_space<vmem>>) target(%dma_start3A_112 : memref<8192xi32, #tpu.memory_space<hbm>>) target_semaphore(%run_scoped3A : memref<!tpu.dma_semaphore, #tpu.memory_space<semaphore_mem>>)
          %dma_wait3A = tpu.memref_slice %arg8[%add3A_110] : memref<1266941952xi32, #tpu.memory_space<hbm>> -> memref<8192xi32, #tpu.memory_space<hbm>>
          %dma_wait3A_113 = tpu.memref_slice %arg8[%add3A_110] : memref<1266941952xi32, #tpu.memory_space<hbm>> -> memref<8192xi32, #tpu.memory_space<hbm>>
          tpu.wait_dma2 semaphore(%run_scoped3A : memref<!tpu.dma_semaphore, #tpu.memory_space<semaphore_mem>>) src(%arg15 : memref<8192xi32, #tpu.memory_space<vmem>>) dst(%dma_wait3A_113 : memref<8192xi32, #tpu.memory_space<hbm>>)
          tpu.yield
        }) : () -> ()
        %while3A_111 = arith.constant 0 : i32
        scf.yield %while3A_111 : i32
      }
      %scan3A_90 = arith.constant 0 : i32
      %scan3A_91 = arith.constant 0 : i32
      %scan3A_92 = arith.constant 4096 : i32
      %scan3A_93 = arith.addi %scan3A_91, %scan3A_92 : i32
      %scan3A_94 = arith.constant 1 : i32
      %scan3A_95 = scf.for %scan3A_98 = %scan3A_91 to %scan3A_93 step %scan3A_94 iter_args(%scan3A_99 = %scan3A_90) -> (i32)  : i32 {
        %broadcast_in_dim3A_100 = arith.constant 0 : i32
        %broadcast_in_dim3A_101 = vector.broadcast %broadcast_in_dim3A_100 : i32 to vector<16xi32>
        %mul3A_102 = arith.constant 16 : i32
        %mul3A_103 = arith.muli %scan3A_98, %mul3A_102 : i32
        %swap3A = arith.index_cast %mul3A_103 : i32 to index
        %swap3A_104 = tpu.vector_load %arg9[%swap3A] {strides = array<i32>} : memref<65536xi32, #tpu.memory_space<vmem>>, vector<16xi32>,
        tpu.vector_store %arg9[%swap3A], %broadcast_in_dim3A_101 {strides = array<i32>} : memref<65536xi32, #tpu.memory_space<vmem>>, vector<16xi32>,
        %scan3A_105 = arith.constant 0 : i32
        scf.yield %scan3A_105 : i32
      }
      %scan3A_96 = arith.constant 4096 : i32
      %while3A_97 = arith.constant 0 : i32
      scf.yield %while3A_97 : i32
    }
    %while3A_29 = arith.constant 1 : i32
    %while3A_30 = scf.for %while3A_31 = %while3A_26 to %while3A_22 step %while3A_29 iter_args(%while3A_32 = %while3A_28) -> (i32)  : i32 {
      %broadcast_in_dim3A = vector.broadcast %while3A_31 : i32 to vector<16xi32>
      %gather3A = tpu.vector_load_idx %arg12[%broadcast_in_dim3A] : memref<8192xi32, #tpu.memory_space<vmem>>[vector<16xi32>], vector<16xi32>,
      %slice3A_33 = vector.extract_strided_slice %gather3A {offsets = [0], sizes = [1], strides = [1]} : vector<16xi32> to vector<1xi32>
      %squeeze3A_34 = vector.extract %slice3A_33[0] : i32 from vector<1xi32>
      %broadcast_in_dim3A_35 = vector.broadcast %squeeze3A_34 : i32 to vector<16xi32>
      %gather3A_36 = tpu.vector_load_idx %arg10[%broadcast_in_dim3A_35] : memref<8192xi32, #tpu.memory_space<vmem>>[vector<16xi32>], vector<16xi32>,
      %slice3A_37 = vector.extract_strided_slice %gather3A_36 {offsets = [0], sizes = [1], strides = [1]} : vector<16xi32> to vector<1xi32>
      %squeeze3A_38 = vector.extract %slice3A_37[0] : i32 from vector<1xi32>
      %gather3A_39 = tpu.vector_load_idx %arg11[%broadcast_in_dim3A_35] : memref<8192xi32, #tpu.memory_space<vmem>>[vector<16xi32>], vector<16xi32>,
      %slice3A_40 = vector.extract_strided_slice %gather3A_39 {offsets = [0], sizes = [1], strides = [1]} : vector<16xi32> to vector<1xi32>
      %squeeze3A_41 = vector.extract %slice3A_40[0] : i32 from vector<1xi32>
      %add3A_42 = arith.constant 8192 : i32
      %add3A_43 = arith.addi %squeeze3A_41, %add3A_42 : i32
      %sub3A = arith.constant 1 : i32
      %sub3A_44 = arith.subi %add3A_43, %sub3A : i32
      %shift_right_logical3A = arith.constant 13 : i32
      %shift_right_logical3A_45 = arith.shrui %sub3A_44, %shift_right_logical3A : i32
      %shift_right_logical3A_46 = arith.constant 1 : i32
      %shift_right_logical3A_47 = arith.shrui %squeeze3A_34, %shift_right_logical3A_46 : i32
      %jit3A = arith.constant 2 : i32
      %eq3A_48 = arith.constant 0 : i32
      %eq3A_49 = arith.cmpi eq, %jit3A, %eq3A_48 : i32
      %jit3A_50 = arith.constant 1 : i32
      %select_n3A_51 = arith.select %eq3A_49, %jit3A_50, %jit3A : i32
      %rem3A = arith.remsi %shift_right_logical3A_47, %select_n3A_51 : i32
      %ne3A_52 = arith.constant 0 : i32
      %ne3A_53 = arith.cmpi ne, %rem3A, %ne3A_52 : i32
      %lt3A = arith.constant 0 : i32
      %lt3A_54 = arith.cmpi slt, %rem3A, %lt3A : i32
      %lt3A_55 = arith.constant 0 : i32
      %lt3A_56 = arith.cmpi slt, %select_n3A_51, %lt3A_55 : i32
      %ne3A_57 = arith.xori %lt3A_54, %lt3A_56 : i1
      %and3A = arith.andi %ne3A_57, %ne3A_53 : i1
      %add3A_58 = arith.addi %rem3A, %select_n3A_51 : i32
      %select_n3A_59 = arith.select %and3A, %add3A_58, %rem3A : i32
      %shift_right_logical3A_60 = arith.constant 3 : i32
      %shift_right_logical3A_61 = arith.shrui %arg1, %shift_right_logical3A_60 : i32
      %eq3A_62 = arith.cmpi eq, %select_n3A_59, %shift_right_logical3A_61 : i32
      %jit3A_63 = arith.constant 0 : i32
      %select_n3A_64 = arith.select %eq3A_62, %shift_right_logical3A_45, %jit3A_63 : i32
      %add3A_65 = arith.addi %squeeze3A_38, %squeeze3A_41 : i32
      %while3A_66 = arith.constant 0 : i32
      %while3A_67 = arith.constant 0 : i32
      %while3A_68 = arith.subi %select_n3A_64, %while3A_66 : i32
      %while3A_69 = arith.addi %while3A_66, %while3A_68 : i32
      %while3A_70 = arith.constant 1 : i32
      %while3A_71 = arith.divsi %while3A_68, %while3A_70 : i32
      %while3A_72 = arith.muli %while3A_71, %while3A_70 : i32
      %while3A_73 = arith.addi %while3A_66, %while3A_72 : i32
      %while3A_74 = arith.constant 1 : i32
      %while3A_75 = scf.for %while3A_98 = %while3A_66 to %while3A_73 step %while3A_74 iter_args(%while3A_99 = %while3A_67) -> (i32)  : i32 {
        %mul3A_100 = arith.constant 8192 : i32
        %mul3A_101 = arith.muli %while3A_98, %mul3A_100 : i32
        %add3A_102 = arith.addi %squeeze3A_38, %mul3A_101 : i32
        %multiple_of3A = tpu.assume_multiple %add3A_102, 8 : i32
        "tpu.region"() ({
          %run_scoped3A = tpu.sem_alloc : memref<!tpu.dma_semaphore, #tpu.memory_space<semaphore_mem>>
          %dma_start3A = tpu.memref_slice %arg2[%multiple_of3A] : memref<39591936xi32, #tpu.memory_space<hbm>> -> memref<8192xi32, #tpu.memory_space<hbm>>
          %dma_start3A_111 = tpu.memref_slice %arg2[%multiple_of3A] : memref<39591936xi32, #tpu.memory_space<hbm>> -> memref<8192xi32, #tpu.memory_space<hbm>>
          tpu.enqueue_dma source(%dma_start3A_111 : memref<8192xi32, #tpu.memory_space<hbm>>) target(%arg14 : memref<8192xi32, #tpu.memory_space<vmem>>) target_semaphore(%run_scoped3A : memref<!tpu.dma_semaphore, #tpu.memory_space<semaphore_mem>>)
          %dma_wait3A = tpu.memref_slice %arg2[%multiple_of3A] : memref<39591936xi32, #tpu.memory_space<hbm>> -> memref<8192xi32, #tpu.memory_space<hbm>>
          %dma_wait3A_112 = tpu.memref_slice %arg2[%multiple_of3A] : memref<39591936xi32, #tpu.memory_space<hbm>> -> memref<8192xi32, #tpu.memory_space<hbm>>
          tpu.wait_dma2 semaphore(%run_scoped3A : memref<!tpu.dma_semaphore, #tpu.memory_space<semaphore_mem>>) src(%dma_wait3A_112 : memref<8192xi32, #tpu.memory_space<hbm>>) dst(%arg14 : memref<8192xi32, #tpu.memory_space<vmem>>)
          tpu.yield
        }) : () -> ()
        %scan3A_103 = arith.constant 0 : i32
        %scan3A_104 = arith.constant 0 : i32
        %scan3A_105 = arith.constant 512 : i32
        %scan3A_106 = arith.addi %scan3A_104, %scan3A_105 : i32
        %scan3A_107 = arith.constant 1 : i32
        %scan3A_108 = scf.for %scan3A_111 = %scan3A_104 to %scan3A_106 step %scan3A_107 iter_args(%scan3A_112 = %scan3A_103) -> (i32)  : i32 {
          %mul3A_113 = arith.constant 16 : i32
          %mul3A_114 = arith.muli %scan3A_111, %mul3A_113 : i32
          %get3A_115 = arith.index_cast %mul3A_114 : i32 to index
          %get3A_116 = tpu.vector_load %arg14[%get3A_115] {strides = array<i32>} : memref<8192xi32, #tpu.memory_space<vmem>>, vector<16xi32>,
          %and3A_117 = arith.constant 524287 : i32
          %and3A_118 = vector.broadcast %and3A_117 : i32 to vector<16xi32>
          %and3A_119 = arith.andi %get3A_116, %and3A_118 : vector<16xi32>
          %mul3A_120 = arith.constant 16 : i32
          %mul3A_121 = arith.muli %scan3A_111, %mul3A_120 : i32
          %add3A_122 = arith.addi %multiple_of3A, %mul3A_121 : i32
          %add3A_123 = vector.broadcast %add3A_122 : i32 to vector<16xi32>
          %add3A_124 = arith.addi %add3A_123, %iota3A : vector<16xi32>
          %lt3A_125 = vector.broadcast %add3A_65 : i32 to vector<16xi32>
          %lt3A_126 = arith.cmpi slt, %add3A_124, %lt3A_125 : vector<16xi32>
          %and3A_127 = arith.constant 7 : i32
          %and3A_128 = vector.broadcast %and3A_127 : i32 to vector<16xi32>
          %and3A_129 = arith.andi %and3A_119, %and3A_128 : vector<16xi32>
          %and3A_130 = arith.constant 7 : i32
          %and3A_131 = arith.andi %arg1, %and3A_130 : i32
          %eq3A_132 = vector.broadcast %and3A_131 : i32 to vector<16xi32>
          %eq3A_133 = arith.cmpi eq, %and3A_129, %eq3A_132 : vector<16xi32>
          %and3A_134 = arith.andi %eq3A_133, %lt3A_126 : vector<16xi1>
          %add3A_135 = arith.constant 524288 : i32
          %add3A_136 = vector.broadcast %add3A_135 : i32 to vector<16xi32>
          %add3A_137 = arith.addi %add3A_136, %iota3A : vector<16xi32>
          %select_n3A_138 = arith.select %and3A_134, %and3A_119, %add3A_137 : vector<16xi1>, vector<16xi32>
          %broadcast_in_dim3A_139 = arith.constant true
          %broadcast_in_dim3A_140 = vector.broadcast %broadcast_in_dim3A_139 : i1 to vector<16xi1>
          %unique3A, %unique3A_141 = tpu.scan_count mask(%broadcast_in_dim3A_140 : vector<16xi1>) value(%select_n3A_138 : vector<16xi32>) : vector<16xi1>, vector<16xi32>
          %shift_right_logical3A_142 = arith.constant 3 : i32
          %shift_right_logical3A_143 = vector.broadcast %shift_right_logical3A_142 : i32 to vector<16xi32>
          %shift_right_logical3A_144 = arith.shrui %and3A_119, %shift_right_logical3A_143 : vector<16xi32>
          %and3A_145 = arith.andi %unique3A, %and3A_134 : vector<16xi1>
          tpu.vector_store_idx %arg9[%shift_right_logical3A_144], %unique3A_141 masked %and3A_145 {add = true} : memref<65536xi32, #tpu.memory_space<vmem>>[vector<16xi32>], vector<16xi32>, vector<16xi1>
          %scan3A_146 = arith.constant 0 : i32
          scf.yield %scan3A_146 : i32
        }
        %scan3A_109 = arith.constant 512 : i32
        %while3A_110 = arith.constant 0 : i32
        scf.yield %while3A_110 : i32
      }
      %while3A_76 = arith.constant 1 : i32
      %while3A_77 = scf.for %while3A_98 = %while3A_73 to %while3A_69 step %while3A_76 iter_args(%while3A_99 = %while3A_75) -> (i32)  : i32 {
        %mul3A_100 = arith.constant 8192 : i32
        %mul3A_101 = arith.muli %while3A_98, %mul3A_100 : i32
        %add3A_102 = arith.addi %squeeze3A_38, %mul3A_101 : i32
        %multiple_of3A = tpu.assume_multiple %add3A_102, 8 : i32
        "tpu.region"() ({
          %run_scoped3A = tpu.sem_alloc : memref<!tpu.dma_semaphore, #tpu.memory_space<semaphore_mem>>
          %dma_start3A = tpu.memref_slice %arg2[%multiple_of3A] : memref<39591936xi32, #tpu.memory_space<hbm>> -> memref<8192xi32, #tpu.memory_space<hbm>>
          %dma_start3A_111 = tpu.memref_slice %arg2[%multiple_of3A] : memref<39591936xi32, #tpu.memory_space<hbm>> -> memref<8192xi32, #tpu.memory_space<hbm>>
          tpu.enqueue_dma source(%dma_start3A_111 : memref<8192xi32, #tpu.memory_space<hbm>>) target(%arg14 : memref<8192xi32, #tpu.memory_space<vmem>>) target_semaphore(%run_scoped3A : memref<!tpu.dma_semaphore, #tpu.memory_space<semaphore_mem>>)
          %dma_wait3A = tpu.memref_slice %arg2[%multiple_of3A] : memref<39591936xi32, #tpu.memory_space<hbm>> -> memref<8192xi32, #tpu.memory_space<hbm>>
          %dma_wait3A_112 = tpu.memref_slice %arg2[%multiple_of3A] : memref<39591936xi32, #tpu.memory_space<hbm>> -> memref<8192xi32, #tpu.memory_space<hbm>>
          tpu.wait_dma2 semaphore(%run_scoped3A : memref<!tpu.dma_semaphore, #tpu.memory_space<semaphore_mem>>) src(%dma_wait3A_112 : memref<8192xi32, #tpu.memory_space<hbm>>) dst(%arg14 : memref<8192xi32, #tpu.memory_space<vmem>>)
          tpu.yield
        }) : () -> ()
        %scan3A_103 = arith.constant 0 : i32
        %scan3A_104 = arith.constant 0 : i32
        %scan3A_105 = arith.constant 512 : i32
        %scan3A_106 = arith.addi %scan3A_104, %scan3A_105 : i32
        %scan3A_107 = arith.constant 1 : i32
        %scan3A_108 = scf.for %scan3A_111 = %scan3A_104 to %scan3A_106 step %scan3A_107 iter_args(%scan3A_112 = %scan3A_103) -> (i32)  : i32 {
          %mul3A_113 = arith.constant 16 : i32
          %mul3A_114 = arith.muli %scan3A_111, %mul3A_113 : i32
          %get3A_115 = arith.index_cast %mul3A_114 : i32 to index
          %get3A_116 = tpu.vector_load %arg14[%get3A_115] {strides = array<i32>} : memref<8192xi32, #tpu.memory_space<vmem>>, vector<16xi32>,
          %and3A_117 = arith.constant 524287 : i32
          %and3A_118 = vector.broadcast %and3A_117 : i32 to vector<16xi32>
          %and3A_119 = arith.andi %get3A_116, %and3A_118 : vector<16xi32>
          %mul3A_120 = arith.constant 16 : i32
          %mul3A_121 = arith.muli %scan3A_111, %mul3A_120 : i32
          %add3A_122 = arith.addi %multiple_of3A, %mul3A_121 : i32
          %add3A_123 = vector.broadcast %add3A_122 : i32 to vector<16xi32>
          %add3A_124 = arith.addi %add3A_123, %iota3A : vector<16xi32>
          %lt3A_125 = vector.broadcast %add3A_65 : i32 to vector<16xi32>
          %lt3A_126 = arith.cmpi slt, %add3A_124, %lt3A_125 : vector<16xi32>
          %and3A_127 = arith.constant 7 : i32
          %and3A_128 = vector.broadcast %and3A_127 : i32 to vector<16xi32>
          %and3A_129 = arith.andi %and3A_119, %and3A_128 : vector<16xi32>
          %and3A_130 = arith.constant 7 : i32
          %and3A_131 = arith.andi %arg1, %and3A_130 : i32
          %eq3A_132 = vector.broadcast %and3A_131 : i32 to vector<16xi32>
          %eq3A_133 = arith.cmpi eq, %and3A_129, %eq3A_132 : vector<16xi32>
          %and3A_134 = arith.andi %eq3A_133, %lt3A_126 : vector<16xi1>
          %add3A_135 = arith.constant 524288 : i32
          %add3A_136 = vector.broadcast %add3A_135 : i32 to vector<16xi32>
          %add3A_137 = arith.addi %add3A_136, %iota3A : vector<16xi32>
          %select_n3A_138 = arith.select %and3A_134, %and3A_119, %add3A_137 : vector<16xi1>, vector<16xi32>
          %broadcast_in_dim3A_139 = arith.constant true
          %broadcast_in_dim3A_140 = vector.broadcast %broadcast_in_dim3A_139 : i1 to vector<16xi1>
          %unique3A, %unique3A_141 = tpu.scan_count mask(%broadcast_in_dim3A_140 : vector<16xi1>) value(%select_n3A_138 : vector<16xi32>) : vector<16xi1>, vector<16xi32>
          %shift_right_logical3A_142 = arith.constant 3 : i32
          %shift_right_logical3A_143 = vector.broadcast %shift_right_logical3A_142 : i32 to vector<16xi32>
          %shift_right_logical3A_144 = arith.shrui %and3A_119, %shift_right_logical3A_143 : vector<16xi32>
          %and3A_145 = arith.andi %unique3A, %and3A_134 : vector<16xi1>
          tpu.vector_store_idx %arg9[%shift_right_logical3A_144], %unique3A_141 masked %and3A_145 {add = true} : memref<65536xi32, #tpu.memory_space<vmem>>[vector<16xi32>], vector<16xi32>, vector<16xi1>
          %scan3A_146 = arith.constant 0 : i32
          scf.yield %scan3A_146 : i32
        }
        %scan3A_109 = arith.constant 512 : i32
        %while3A_110 = arith.constant 0 : i32
        scf.yield %while3A_110 : i32
      }
      %while3A_78 = arith.constant 0 : i32
      %while3A_79 = arith.constant 0 : i32
      %while3A_80 = arith.subi %select_n3A_64, %while3A_78 : i32
      %while3A_81 = arith.addi %while3A_78, %while3A_80 : i32
      %while3A_82 = arith.constant 1 : i32
      %while3A_83 = arith.divsi %while3A_80, %while3A_82 : i32
      %while3A_84 = arith.muli %while3A_83, %while3A_82 : i32
      %while3A_85 = arith.addi %while3A_78, %while3A_84 : i32
      %while3A_86 = arith.constant 1 : i32
      %while3A_87 = scf.for %while3A_98 = %while3A_78 to %while3A_85 step %while3A_86 iter_args(%while3A_99 = %while3A_79) -> (i32)  : i32 {
        %mul3A_100 = arith.constant 8192 : i32
        %mul3A_101 = arith.muli %while3A_98, %mul3A_100 : i32
        %add3A_102 = arith.addi %squeeze3A_38, %mul3A_101 : i32
        %multiple_of3A = tpu.assume_multiple %add3A_102, 8 : i32
        "tpu.region"() ({
          %run_scoped3A = tpu.sem_alloc : memref<!tpu.dma_semaphore, #tpu.memory_space<semaphore_mem>>
          %dma_start3A = tpu.memref_slice %arg2[%multiple_of3A] : memref<39591936xi32, #tpu.memory_space<hbm>> -> memref<8192xi32, #tpu.memory_space<hbm>>
          %dma_start3A_112 = tpu.memref_slice %arg2[%multiple_of3A] : memref<39591936xi32, #tpu.memory_space<hbm>> -> memref<8192xi32, #tpu.memory_space<hbm>>
          tpu.enqueue_dma source(%dma_start3A_112 : memref<8192xi32, #tpu.memory_space<hbm>>) target(%arg14 : memref<8192xi32, #tpu.memory_space<vmem>>) target_semaphore(%run_scoped3A : memref<!tpu.dma_semaphore, #tpu.memory_space<semaphore_mem>>)
          %dma_wait3A = tpu.memref_slice %arg2[%multiple_of3A] : memref<39591936xi32, #tpu.memory_space<hbm>> -> memref<8192xi32, #tpu.memory_space<hbm>>
          %dma_wait3A_113 = tpu.memref_slice %arg2[%multiple_of3A] : memref<39591936xi32, #tpu.memory_space<hbm>> -> memref<8192xi32, #tpu.memory_space<hbm>>
          tpu.wait_dma2 semaphore(%run_scoped3A : memref<!tpu.dma_semaphore, #tpu.memory_space<semaphore_mem>>) src(%dma_wait3A_113 : memref<8192xi32, #tpu.memory_space<hbm>>) dst(%arg14 : memref<8192xi32, #tpu.memory_space<vmem>>)
          tpu.yield
        }) : () -> ()
        %scan3A_103 = arith.constant 0 : i32
        %scan3A_104 = arith.constant 0 : i32
        %scan3A_105 = arith.constant 512 : i32
        %scan3A_106 = arith.addi %scan3A_104, %scan3A_105 : i32
        %scan3A_107 = arith.constant 1 : i32
        %scan3A_108 = scf.for %scan3A_112 = %scan3A_104 to %scan3A_106 step %scan3A_107 iter_args(%scan3A_113 = %scan3A_103) -> (i32)  : i32 {
          %mul3A_114 = arith.constant 16 : i32
          %mul3A_115 = arith.muli %scan3A_112, %mul3A_114 : i32
          %get3A_116 = arith.index_cast %mul3A_115 : i32 to index
          %get3A_117 = tpu.vector_load %arg14[%get3A_116] {strides = array<i32>} : memref<8192xi32, #tpu.memory_space<vmem>>, vector<16xi32>,
          %and3A_118 = arith.constant 524287 : i32
          %and3A_119 = vector.broadcast %and3A_118 : i32 to vector<16xi32>
          %and3A_120 = arith.andi %get3A_117, %and3A_119 : vector<16xi32>
          %mul3A_121 = arith.constant 16 : i32
          %mul3A_122 = arith.muli %scan3A_112, %mul3A_121 : i32
          %add3A_123 = arith.addi %multiple_of3A, %mul3A_122 : i32
          %add3A_124 = vector.broadcast %add3A_123 : i32 to vector<16xi32>
          %add3A_125 = arith.addi %add3A_124, %iota3A : vector<16xi32>
          %lt3A_126 = vector.broadcast %add3A_65 : i32 to vector<16xi32>
          %lt3A_127 = arith.cmpi slt, %add3A_125, %lt3A_126 : vector<16xi32>
          %and3A_128 = arith.constant 7 : i32
          %and3A_129 = vector.broadcast %and3A_128 : i32 to vector<16xi32>
          %and3A_130 = arith.andi %and3A_120, %and3A_129 : vector<16xi32>
          %and3A_131 = arith.constant 7 : i32
          %and3A_132 = arith.andi %arg1, %and3A_131 : i32
          %eq3A_133 = vector.broadcast %and3A_132 : i32 to vector<16xi32>
          %eq3A_134 = arith.cmpi eq, %and3A_130, %eq3A_133 : vector<16xi32>
          %and3A_135 = arith.andi %eq3A_134, %lt3A_127 : vector<16xi1>
          %shift_right_logical3A_136 = arith.constant 3 : i32
          %shift_right_logical3A_137 = vector.broadcast %shift_right_logical3A_136 : i32 to vector<16xi32>
          %shift_right_logical3A_138 = arith.shrui %and3A_120, %shift_right_logical3A_137 : vector<16xi32>
          %gather3A_139 = tpu.vector_load_idx %arg9[%shift_right_logical3A_138] : memref<65536xi32, #tpu.memory_space<vmem>>[vector<16xi32>], vector<16xi32>,
          %jit3A_140 = arith.constant 0 : i32
          %broadcast_in_dim3A_141 = vector.broadcast %jit3A_140 : i32 to vector<16xi32>
          %select_n3A_142 = arith.select %and3A_135, %gather3A_139, %broadcast_in_dim3A_141 : vector<16xi1>, vector<16xi32>
          %mul3A_143 = arith.constant 16 : i32
          %mul3A_144 = arith.muli %scan3A_112, %mul3A_143 : i32
          %swap3A = arith.index_cast %mul3A_144 : i32 to index
          %swap3A_145 = tpu.vector_load %arg15[%swap3A] {strides = array<i32>} : memref<8192xi32, #tpu.memory_space<vmem>>, vector<16xi32>,
          tpu.vector_store %arg15[%swap3A], %select_n3A_142 {strides = array<i32>} : memref<8192xi32, #tpu.memory_space<vmem>>, vector<16xi32>,
          %scan3A_146 = arith.constant 0 : i32
          scf.yield %scan3A_146 : i32
        }
        %scan3A_109 = arith.constant 512 : i32
        %add3A_110 = arith.addi %mul3A_2, %multiple_of3A : i32
        "tpu.region"() ({
          %run_scoped3A = tpu.sem_alloc : memref<!tpu.dma_semaphore, #tpu.memory_space<semaphore_mem>>
          %dma_start3A = tpu.memref_slice %arg8[%add3A_110] : memref<1266941952xi32, #tpu.memory_space<hbm>> -> memref<8192xi32, #tpu.memory_space<hbm>>
          %dma_start3A_112 = tpu.memref_slice %arg8[%add3A_110] : memref<1266941952xi32, #tpu.memory_space<hbm>> -> memref<8192xi32, #tpu.memory_space<hbm>>
          tpu.enqueue_dma source(%arg15 : memref<8192xi32, #tpu.memory_space<vmem>>) target(%dma_start3A_112 : memref<8192xi32, #tpu.memory_space<hbm>>) target_semaphore(%run_scoped3A : memref<!tpu.dma_semaphore, #tpu.memory_space<semaphore_mem>>)
          %dma_wait3A = tpu.memref_slice %arg8[%add3A_110] : memref<1266941952xi32, #tpu.memory_space<hbm>> -> memref<8192xi32, #tpu.memory_space<hbm>>
          %dma_wait3A_113 = tpu.memref_slice %arg8[%add3A_110] : memref<1266941952xi32, #tpu.memory_space<hbm>> -> memref<8192xi32, #tpu.memory_space<hbm>>
          tpu.wait_dma2 semaphore(%run_scoped3A : memref<!tpu.dma_semaphore, #tpu.memory_space<semaphore_mem>>) src(%arg15 : memref<8192xi32, #tpu.memory_space<vmem>>) dst(%dma_wait3A_113 : memref<8192xi32, #tpu.memory_space<hbm>>)
          tpu.yield
        }) : () -> ()
        %while3A_111 = arith.constant 0 : i32
        scf.yield %while3A_111 : i32
      }
      %while3A_88 = arith.constant 1 : i32
      %while3A_89 = scf.for %while3A_98 = %while3A_85 to %while3A_81 step %while3A_88 iter_args(%while3A_99 = %while3A_87) -> (i32)  : i32 {
        %mul3A_100 = arith.constant 8192 : i32
        %mul3A_101 = arith.muli %while3A_98, %mul3A_100 : i32
        %add3A_102 = arith.addi %squeeze3A_38, %mul3A_101 : i32
        %multiple_of3A = tpu.assume_multiple %add3A_102, 8 : i32
        "tpu.region"() ({
          %run_scoped3A = tpu.sem_alloc : memref<!tpu.dma_semaphore, #tpu.memory_space<semaphore_mem>>
          %dma_start3A = tpu.memref_slice %arg2[%multiple_of3A] : memref<39591936xi32, #tpu.memory_space<hbm>> -> memref<8192xi32, #tpu.memory_space<hbm>>
          %dma_start3A_112 = tpu.memref_slice %arg2[%multiple_of3A] : memref<39591936xi32, #tpu.memory_space<hbm>> -> memref<8192xi32, #tpu.memory_space<hbm>>
          tpu.enqueue_dma source(%dma_start3A_112 : memref<8192xi32, #tpu.memory_space<hbm>>) target(%arg14 : memref<8192xi32, #tpu.memory_space<vmem>>) target_semaphore(%run_scoped3A : memref<!tpu.dma_semaphore, #tpu.memory_space<semaphore_mem>>)
          %dma_wait3A = tpu.memref_slice %arg2[%multiple_of3A] : memref<39591936xi32, #tpu.memory_space<hbm>> -> memref<8192xi32, #tpu.memory_space<hbm>>
          %dma_wait3A_113 = tpu.memref_slice %arg2[%multiple_of3A] : memref<39591936xi32, #tpu.memory_space<hbm>> -> memref<8192xi32, #tpu.memory_space<hbm>>
          tpu.wait_dma2 semaphore(%run_scoped3A : memref<!tpu.dma_semaphore, #tpu.memory_space<semaphore_mem>>) src(%dma_wait3A_113 : memref<8192xi32, #tpu.memory_space<hbm>>) dst(%arg14 : memref<8192xi32, #tpu.memory_space<vmem>>)
          tpu.yield
        }) : () -> ()
        %scan3A_103 = arith.constant 0 : i32
        %scan3A_104 = arith.constant 0 : i32
        %scan3A_105 = arith.constant 512 : i32
        %scan3A_106 = arith.addi %scan3A_104, %scan3A_105 : i32
        %scan3A_107 = arith.constant 1 : i32
        %scan3A_108 = scf.for %scan3A_112 = %scan3A_104 to %scan3A_106 step %scan3A_107 iter_args(%scan3A_113 = %scan3A_103) -> (i32)  : i32 {
          %mul3A_114 = arith.constant 16 : i32
          %mul3A_115 = arith.muli %scan3A_112, %mul3A_114 : i32
          %get3A_116 = arith.index_cast %mul3A_115 : i32 to index
          %get3A_117 = tpu.vector_load %arg14[%get3A_116] {strides = array<i32>} : memref<8192xi32, #tpu.memory_space<vmem>>, vector<16xi32>,
          %and3A_118 = arith.constant 524287 : i32
          %and3A_119 = vector.broadcast %and3A_118 : i32 to vector<16xi32>
          %and3A_120 = arith.andi %get3A_117, %and3A_119 : vector<16xi32>
          %mul3A_121 = arith.constant 16 : i32
          %mul3A_122 = arith.muli %scan3A_112, %mul3A_121 : i32
          %add3A_123 = arith.addi %multiple_of3A, %mul3A_122 : i32
          %add3A_124 = vector.broadcast %add3A_123 : i32 to vector<16xi32>
          %add3A_125 = arith.addi %add3A_124, %iota3A : vector<16xi32>
          %lt3A_126 = vector.broadcast %add3A_65 : i32 to vector<16xi32>
          %lt3A_127 = arith.cmpi slt, %add3A_125, %lt3A_126 : vector<16xi32>
          %and3A_128 = arith.constant 7 : i32
          %and3A_129 = vector.broadcast %and3A_128 : i32 to vector<16xi32>
          %and3A_130 = arith.andi %and3A_120, %and3A_129 : vector<16xi32>
          %and3A_131 = arith.constant 7 : i32
          %and3A_132 = arith.andi %arg1, %and3A_131 : i32
          %eq3A_133 = vector.broadcast %and3A_132 : i32 to vector<16xi32>
          %eq3A_134 = arith.cmpi eq, %and3A_130, %eq3A_133 : vector<16xi32>
          %and3A_135 = arith.andi %eq3A_134, %lt3A_127 : vector<16xi1>
          %shift_right_logical3A_136 = arith.constant 3 : i32
          %shift_right_logical3A_137 = vector.broadcast %shift_right_logical3A_136 : i32 to vector<16xi32>
          %shift_right_logical3A_138 = arith.shrui %and3A_120, %shift_right_logical3A_137 : vector<16xi32>
          %gather3A_139 = tpu.vector_load_idx %arg9[%shift_right_logical3A_138] : memref<65536xi32, #tpu.memory_space<vmem>>[vector<16xi32>], vector<16xi32>,
          %jit3A_140 = arith.constant 0 : i32
          %broadcast_in_dim3A_141 = vector.broadcast %jit3A_140 : i32 to vector<16xi32>
          %select_n3A_142 = arith.select %and3A_135, %gather3A_139, %broadcast_in_dim3A_141 : vector<16xi1>, vector<16xi32>
          %mul3A_143 = arith.constant 16 : i32
          %mul3A_144 = arith.muli %scan3A_112, %mul3A_143 : i32
          %swap3A = arith.index_cast %mul3A_144 : i32 to index
          %swap3A_145 = tpu.vector_load %arg15[%swap3A] {strides = array<i32>} : memref<8192xi32, #tpu.memory_space<vmem>>, vector<16xi32>,
          tpu.vector_store %arg15[%swap3A], %select_n3A_142 {strides = array<i32>} : memref<8192xi32, #tpu.memory_space<vmem>>, vector<16xi32>,
          %scan3A_146 = arith.constant 0 : i32
          scf.yield %scan3A_146 : i32
        }
        %scan3A_109 = arith.constant 512 : i32
        %add3A_110 = arith.addi %mul3A_2, %multiple_of3A : i32
        "tpu.region"() ({
          %run_scoped3A = tpu.sem_alloc : memref<!tpu.dma_semaphore, #tpu.memory_space<semaphore_mem>>
          %dma_start3A = tpu.memref_slice %arg8[%add3A_110] : memref<1266941952xi32, #tpu.memory_space<hbm>> -> memref<8192xi32, #tpu.memory_space<hbm>>
          %dma_start3A_112 = tpu.memref_slice %arg8[%add3A_110] : memref<1266941952xi32, #tpu.memory_space<hbm>> -> memref<8192xi32, #tpu.memory_space<hbm>>
          tpu.enqueue_dma source(%arg15 : memref<8192xi32, #tpu.memory_space<vmem>>) target(%dma_start3A_112 : memref<8192xi32, #tpu.memory_space<hbm>>) target_semaphore(%run_scoped3A : memref<!tpu.dma_semaphore, #tpu.memory_space<semaphore_mem>>)
          %dma_wait3A = tpu.memref_slice %arg8[%add3A_110] : memref<1266941952xi32, #tpu.memory_space<hbm>> -> memref<8192xi32, #tpu.memory_space<hbm>>
          %dma_wait3A_113 = tpu.memref_slice %arg8[%add3A_110] : memref<1266941952xi32, #tpu.memory_space<hbm>> -> memref<8192xi32, #tpu.memory_space<hbm>>
          tpu.wait_dma2 semaphore(%run_scoped3A : memref<!tpu.dma_semaphore, #tpu.memory_space<semaphore_mem>>) src(%arg15 : memref<8192xi32, #tpu.memory_space<vmem>>) dst(%dma_wait3A_113 : memref<8192xi32, #tpu.memory_space<hbm>>)
          tpu.yield
        }) : () -> ()
        %while3A_111 = arith.constant 0 : i32
        scf.yield %while3A_111 : i32
      }
      %scan3A_90 = arith.constant 0 : i32
      %scan3A_91 = arith.constant 0 : i32
      %scan3A_92 = arith.constant 4096 : i32
      %scan3A_93 = arith.addi %scan3A_91, %scan3A_92 : i32
      %scan3A_94 = arith.constant 1 : i32
      %scan3A_95 = scf.for %scan3A_98 = %scan3A_91 to %scan3A_93 step %scan3A_94 iter_args(%scan3A_99 = %scan3A_90) -> (i32)  : i32 {
        %broadcast_in_dim3A_100 = arith.constant 0 : i32
        %broadcast_in_dim3A_101 = vector.broadcast %broadcast_in_dim3A_100 : i32 to vector<16xi32>
        %mul3A_102 = arith.constant 16 : i32
        %mul3A_103 = arith.muli %scan3A_98, %mul3A_102 : i32
        %swap3A = arith.index_cast %mul3A_103 : i32 to index
        %swap3A_104 = tpu.vector_load %arg9[%swap3A] {strides = array<i32>} : memref<65536xi32, #tpu.memory_space<vmem>>, vector<16xi32>,
        tpu.vector_store %arg9[%swap3A], %broadcast_in_dim3A_101 {strides = array<i32>} : memref<65536xi32, #tpu.memory_space<vmem>>, vector<16xi32>,
        %scan3A_105 = arith.constant 0 : i32
        scf.yield %scan3A_105 : i32
      }
      %scan3A_96 = arith.constant 4096 : i32
      %while3A_97 = arith.constant 0 : i32
      scf.yield %while3A_97 : i32
    }
    return
  }
}

module attributes {stable_mosaic.version = 14 : i64} {
  func.func @_s2_body(%arg0: memref<32x8192xi32, #tpu.memory_space<vmem>>, %arg1: memref<32x8192xi32, #tpu.memory_space<vmem>>, %arg2: memref<1x8192xi32, #tpu.memory_space<vmem>>, %arg3: memref<1x8192xi32, #tpu.memory_space<vmem>>) attributes {dimension_semantics = [], scalar_prefetch = 0 : i64, scratch_operands = 0 : i64, tpu.core_type = #tpu.core_type<tc>} {
    %get3A = arith.constant 0 : index
    %get3A_0 = arith.constant 0 : index
    %get3A_1 = vector.load %arg0[%get3A, %get3A_0] : memref<32x8192xi32, #tpu.memory_space<vmem>>, vector<32x8192xi32>
    %reduce_sum3A = arith.constant dense<0> : vector<8192xi32>
    %reduce_sum3A_2 = vector.multi_reduction <add>, %get3A_1, %reduce_sum3A [0] : vector<32x8192xi32> to vector<8192xi32>
    %broadcast_in_dim3A = vector.shape_cast %reduce_sum3A_2 : vector<8192xi32> to vector<1x8192xi32>
    %add3A = arith.constant 127 : i32
    %add3A_3 = vector.broadcast %add3A : i32 to vector<1x8192xi32>
    %add3A_4 = arith.addi %broadcast_in_dim3A, %add3A_3 : vector<1x8192xi32>
    %and3A = arith.constant -128 : i32
    %and3A_5 = vector.broadcast %and3A : i32 to vector<1x8192xi32>
    %and3A_6 = arith.andi %add3A_4, %and3A_5 : vector<1x8192xi32>
    %broadcast_in_dim3A_7 = arith.constant 0 : i32
    %broadcast_in_dim3A_8 = vector.broadcast %broadcast_in_dim3A_7 : i32 to vector<1x1xi32>
    %slice3A = vector.extract_strided_slice %and3A_6 {offsets = [0, 0], sizes = [1, 8191], strides = [1, 1]} : vector<1x8192xi32> to vector<1x8191xi32>
    %concatenate3A = tpu.concatenate %broadcast_in_dim3A_8, %slice3A in 1 : vector<1x1xi32>, vector<1x8191xi32> -> vector<1x8192xi32>
    %add3A_9 = arith.addi %and3A_6, %concatenate3A : vector<1x8192xi32>
    %broadcast_in_dim3A_10 = arith.constant 0 : i32
    %broadcast_in_dim3A_11 = vector.broadcast %broadcast_in_dim3A_10 : i32 to vector<1x2xi32>
    %slice3A_12 = vector.extract_strided_slice %add3A_9 {offsets = [0, 0], sizes = [1, 8190], strides = [1, 1]} : vector<1x8192xi32> to vector<1x8190xi32>
    %concatenate3A_13 = tpu.concatenate %broadcast_in_dim3A_11, %slice3A_12 in 1 : vector<1x2xi32>, vector<1x8190xi32> -> vector<1x8192xi32>
    %add3A_14 = arith.addi %add3A_9, %concatenate3A_13 : vector<1x8192xi32>
    %broadcast_in_dim3A_15 = arith.constant 0 : i32
    %broadcast_in_dim3A_16 = vector.broadcast %broadcast_in_dim3A_15 : i32 to vector<1x4xi32>
    %slice3A_17 = vector.extract_strided_slice %add3A_14 {offsets = [0, 0], sizes = [1, 8188], strides = [1, 1]} : vector<1x8192xi32> to vector<1x8188xi32>
    %concatenate3A_18 = tpu.concatenate %broadcast_in_dim3A_16, %slice3A_17 in 1 : vector<1x4xi32>, vector<1x8188xi32> -> vector<1x8192xi32>
    %add3A_19 = arith.addi %add3A_14, %concatenate3A_18 : vector<1x8192xi32>
    %broadcast_in_dim3A_20 = arith.constant 0 : i32
    %broadcast_in_dim3A_21 = vector.broadcast %broadcast_in_dim3A_20 : i32 to vector<1x8xi32>
    %slice3A_22 = vector.extract_strided_slice %add3A_19 {offsets = [0, 0], sizes = [1, 8184], strides = [1, 1]} : vector<1x8192xi32> to vector<1x8184xi32>
    %concatenate3A_23 = tpu.concatenate %broadcast_in_dim3A_21, %slice3A_22 in 1 : vector<1x8xi32>, vector<1x8184xi32> -> vector<1x8192xi32>
    %add3A_24 = arith.addi %add3A_19, %concatenate3A_23 : vector<1x8192xi32>
    %broadcast_in_dim3A_25 = arith.constant 0 : i32
    %broadcast_in_dim3A_26 = vector.broadcast %broadcast_in_dim3A_25 : i32 to vector<1x16xi32>
    %slice3A_27 = vector.extract_strided_slice %add3A_24 {offsets = [0, 0], sizes = [1, 8176], strides = [1, 1]} : vector<1x8192xi32> to vector<1x8176xi32>
    %concatenate3A_28 = tpu.concatenate %broadcast_in_dim3A_26, %slice3A_27 in 1 : vector<1x16xi32>, vector<1x8176xi32> -> vector<1x8192xi32>
    %add3A_29 = arith.addi %add3A_24, %concatenate3A_28 : vector<1x8192xi32>
    %broadcast_in_dim3A_30 = arith.constant 0 : i32
    %broadcast_in_dim3A_31 = vector.broadcast %broadcast_in_dim3A_30 : i32 to vector<1x32xi32>
    %slice3A_32 = vector.extract_strided_slice %add3A_29 {offsets = [0, 0], sizes = [1, 8160], strides = [1, 1]} : vector<1x8192xi32> to vector<1x8160xi32>
    %concatenate3A_33 = tpu.concatenate %broadcast_in_dim3A_31, %slice3A_32 in 1 : vector<1x32xi32>, vector<1x8160xi32> -> vector<1x8192xi32>
    %add3A_34 = arith.addi %add3A_29, %concatenate3A_33 : vector<1x8192xi32>
    %broadcast_in_dim3A_35 = arith.constant 0 : i32
    %broadcast_in_dim3A_36 = vector.broadcast %broadcast_in_dim3A_35 : i32 to vector<1x64xi32>
    %slice3A_37 = vector.extract_strided_slice %add3A_34 {offsets = [0, 0], sizes = [1, 8128], strides = [1, 1]} : vector<1x8192xi32> to vector<1x8128xi32>
    %concatenate3A_38 = tpu.concatenate %broadcast_in_dim3A_36, %slice3A_37 in 1 : vector<1x64xi32>, vector<1x8128xi32> -> vector<1x8192xi32>
    %add3A_39 = arith.addi %add3A_34, %concatenate3A_38 : vector<1x8192xi32>
    %broadcast_in_dim3A_40 = arith.constant 0 : i32
    %broadcast_in_dim3A_41 = vector.broadcast %broadcast_in_dim3A_40 : i32 to vector<1x128xi32>
    %slice3A_42 = vector.extract_strided_slice %add3A_39 {offsets = [0, 0], sizes = [1, 8064], strides = [1, 1]} : vector<1x8192xi32> to vector<1x8064xi32>
    %concatenate3A_43 = tpu.concatenate %broadcast_in_dim3A_41, %slice3A_42 in 1 : vector<1x128xi32>, vector<1x8064xi32> -> vector<1x8192xi32>
    %add3A_44 = arith.addi %add3A_39, %concatenate3A_43 : vector<1x8192xi32>
    %broadcast_in_dim3A_45 = arith.constant 0 : i32
    %broadcast_in_dim3A_46 = vector.broadcast %broadcast_in_dim3A_45 : i32 to vector<1x256xi32>
    %slice3A_47 = vector.extract_strided_slice %add3A_44 {offsets = [0, 0], sizes = [1, 7936], strides = [1, 1]} : vector<1x8192xi32> to vector<1x7936xi32>
    %concatenate3A_48 = tpu.concatenate %broadcast_in_dim3A_46, %slice3A_47 in 1 : vector<1x256xi32>, vector<1x7936xi32> -> vector<1x8192xi32>
    %add3A_49 = arith.addi %add3A_44, %concatenate3A_48 : vector<1x8192xi32>
    %broadcast_in_dim3A_50 = arith.constant 0 : i32
    %broadcast_in_dim3A_51 = vector.broadcast %broadcast_in_dim3A_50 : i32 to vector<1x512xi32>
    %slice3A_52 = vector.extract_strided_slice %add3A_49 {offsets = [0, 0], sizes = [1, 7680], strides = [1, 1]} : vector<1x8192xi32> to vector<1x7680xi32>
    %concatenate3A_53 = tpu.concatenate %broadcast_in_dim3A_51, %slice3A_52 in 1 : vector<1x512xi32>, vector<1x7680xi32> -> vector<1x8192xi32>
    %add3A_54 = arith.addi %add3A_49, %concatenate3A_53 : vector<1x8192xi32>
    %broadcast_in_dim3A_55 = arith.constant 0 : i32
    %broadcast_in_dim3A_56 = vector.broadcast %broadcast_in_dim3A_55 : i32 to vector<1x1024xi32>
    %slice3A_57 = vector.extract_strided_slice %add3A_54 {offsets = [0, 0], sizes = [1, 7168], strides = [1, 1]} : vector<1x8192xi32> to vector<1x7168xi32>
    %concatenate3A_58 = tpu.concatenate %broadcast_in_dim3A_56, %slice3A_57 in 1 : vector<1x1024xi32>, vector<1x7168xi32> -> vector<1x8192xi32>
    %add3A_59 = arith.addi %add3A_54, %concatenate3A_58 : vector<1x8192xi32>
    %broadcast_in_dim3A_60 = arith.constant 0 : i32
    %broadcast_in_dim3A_61 = vector.broadcast %broadcast_in_dim3A_60 : i32 to vector<1x2048xi32>
    %slice3A_62 = vector.extract_strided_slice %add3A_59 {offsets = [0, 0], sizes = [1, 6144], strides = [1, 1]} : vector<1x8192xi32> to vector<1x6144xi32>
    %concatenate3A_63 = tpu.concatenate %broadcast_in_dim3A_61, %slice3A_62 in 1 : vector<1x2048xi32>, vector<1x6144xi32> -> vector<1x8192xi32>
    %add3A_64 = arith.addi %add3A_59, %concatenate3A_63 : vector<1x8192xi32>
    %broadcast_in_dim3A_65 = arith.constant 0 : i32
    %broadcast_in_dim3A_66 = vector.broadcast %broadcast_in_dim3A_65 : i32 to vector<1x4096xi32>
    %slice3A_67 = vector.extract_strided_slice %add3A_64 {offsets = [0, 0], sizes = [1, 4096], strides = [1, 1]} : vector<1x8192xi32> to vector<1x4096xi32>
    %concatenate3A_68 = tpu.concatenate %broadcast_in_dim3A_66, %slice3A_67 in 1 : vector<1x4096xi32>, vector<1x4096xi32> -> vector<1x8192xi32>
    %add3A_69 = arith.addi %add3A_64, %concatenate3A_68 : vector<1x8192xi32>
    %sub3A = arith.subi %add3A_69, %and3A_6 : vector<1x8192xi32>
    %broadcast_in_dim3A_70 = arith.constant 0 : i32
    %broadcast_in_dim3A_71 = vector.broadcast %broadcast_in_dim3A_70 : i32 to vector<1x8192xi32>
    %slice3A_72 = vector.extract_strided_slice %get3A_1 {offsets = [0, 0], sizes = [31, 8192], strides = [1, 1]} : vector<32x8192xi32> to vector<31x8192xi32>
    %concatenate3A_73 = tpu.concatenate %broadcast_in_dim3A_71, %slice3A_72 in 0 : vector<1x8192xi32>, vector<31x8192xi32> -> vector<32x8192xi32>
    %add3A_74 = arith.addi %get3A_1, %concatenate3A_73 : vector<32x8192xi32>
    %broadcast_in_dim3A_75 = arith.constant 0 : i32
    %broadcast_in_dim3A_76 = vector.broadcast %broadcast_in_dim3A_75 : i32 to vector<2x8192xi32>
    %slice3A_77 = vector.extract_strided_slice %add3A_74 {offsets = [0, 0], sizes = [30, 8192], strides = [1, 1]} : vector<32x8192xi32> to vector<30x8192xi32>
    %concatenate3A_78 = tpu.concatenate %broadcast_in_dim3A_76, %slice3A_77 in 0 : vector<2x8192xi32>, vector<30x8192xi32> -> vector<32x8192xi32>
    %add3A_79 = arith.addi %add3A_74, %concatenate3A_78 : vector<32x8192xi32>
    %broadcast_in_dim3A_80 = arith.constant 0 : i32
    %broadcast_in_dim3A_81 = vector.broadcast %broadcast_in_dim3A_80 : i32 to vector<4x8192xi32>
    %slice3A_82 = vector.extract_strided_slice %add3A_79 {offsets = [0, 0], sizes = [28, 8192], strides = [1, 1]} : vector<32x8192xi32> to vector<28x8192xi32>
    %concatenate3A_83 = tpu.concatenate %broadcast_in_dim3A_81, %slice3A_82 in 0 : vector<4x8192xi32>, vector<28x8192xi32> -> vector<32x8192xi32>
    %add3A_84 = arith.addi %add3A_79, %concatenate3A_83 : vector<32x8192xi32>
    %broadcast_in_dim3A_85 = arith.constant 0 : i32
    %broadcast_in_dim3A_86 = vector.broadcast %broadcast_in_dim3A_85 : i32 to vector<8x8192xi32>
    %slice3A_87 = vector.extract_strided_slice %add3A_84 {offsets = [0, 0], sizes = [24, 8192], strides = [1, 1]} : vector<32x8192xi32> to vector<24x8192xi32>
    %concatenate3A_88 = tpu.concatenate %broadcast_in_dim3A_86, %slice3A_87 in 0 : vector<8x8192xi32>, vector<24x8192xi32> -> vector<32x8192xi32>
    %add3A_89 = arith.addi %add3A_84, %concatenate3A_88 : vector<32x8192xi32>
    %broadcast_in_dim3A_90 = arith.constant 0 : i32
    %broadcast_in_dim3A_91 = vector.broadcast %broadcast_in_dim3A_90 : i32 to vector<16x8192xi32>
    %slice3A_92 = vector.extract_strided_slice %add3A_89 {offsets = [0, 0], sizes = [16, 8192], strides = [1, 1]} : vector<32x8192xi32> to vector<16x8192xi32>
    %concatenate3A_93 = tpu.concatenate %broadcast_in_dim3A_91, %slice3A_92 in 0 : vector<16x8192xi32>, vector<16x8192xi32> -> vector<32x8192xi32>
    %add3A_94 = arith.addi %add3A_89, %concatenate3A_93 : vector<32x8192xi32>
    %sub3A_95 = arith.subi %add3A_94, %get3A_1 : vector<32x8192xi32>
    %add3A_96 = vector.broadcast %sub3A : vector<1x8192xi32> to vector<32x8192xi32>
    %add3A_97 = arith.addi %sub3A_95, %add3A_96 : vector<32x8192xi32>
    %swap3A = arith.constant 0 : index
    %swap3A_98 = arith.constant 0 : index
    %swap3A_99 = vector.load %arg1[%swap3A, %swap3A_98] : memref<32x8192xi32, #tpu.memory_space<vmem>>, vector<32x8192xi32>
    tpu.vector_store %arg1[%swap3A, %swap3A_98], %add3A_97 {strides = array<i32>} : memref<32x8192xi32, #tpu.memory_space<vmem>>, vector<32x8192xi32>,
    %swap3A_100 = arith.constant 0 : index
    %swap3A_101 = arith.constant 0 : index
    %swap3A_102 = vector.load %arg2[%swap3A_100, %swap3A_101] : memref<1x8192xi32, #tpu.memory_space<vmem>>, vector<1x8192xi32>
    tpu.vector_store %arg2[%swap3A_100, %swap3A_101], %sub3A {strides = array<i32>} : memref<1x8192xi32, #tpu.memory_space<vmem>>, vector<1x8192xi32>,
    %swap3A_103 = arith.constant 0 : index
    %swap3A_104 = arith.constant 0 : index
    %swap3A_105 = vector.load %arg3[%swap3A_103, %swap3A_104] : memref<1x8192xi32, #tpu.memory_space<vmem>>, vector<1x8192xi32>
    tpu.vector_store %arg3[%swap3A_103, %swap3A_104], %broadcast_in_dim3A {strides = array<i32>} : memref<1x8192xi32, #tpu.memory_space<vmem>>, vector<1x8192xi32>,
    return
  }
}

module attributes {stable_mosaic.version = 14 : i64} {
  func.func @_s5_body(%arg0: i32, %arg1: i32, %arg2: memref<1x2x112x192xf32, #tpu.memory_space<vmem>>, %arg3: memref<1x2x112x192xi32, #tpu.memory_space<vmem>>, %arg4: memref<1x1x112x96xf32, #tpu.memory_space<vmem>>) attributes {dimension_semantics = [#tpu.dimension_semantics<arbitrary>, #tpu.dimension_semantics<arbitrary>], iteration_bounds = array<i64: 8, 112>, scalar_prefetch = 0 : i64, scratch_operands = 0 : i64, tpu.core_type = #tpu.core_type<tc>, window_params = [{transform_indices = @transform_0, window_bounds = array<i64: 1, 2, 112, 192>}, {transform_indices = @transform_1, window_bounds = array<i64: 1, 2, 112, 192>}, {transform_indices = @transform_2, window_bounds = array<i64: 1, 1, 112, 96>}]} {
    %get3A = arith.constant 0 : index
    %get3A_0 = arith.constant 0 : index
    %get3A_1 = arith.constant 0 : index
    %get3A_2 = arith.constant 0 : index
    %get3A_3 = vector.load %arg2[%get3A, %get3A_0, %get3A_1, %get3A_2] : memref<1x2x112x192xf32, #tpu.memory_space<vmem>>, vector<1x1x112x96xf32>
    %get3A_4 = vector.shape_cast %get3A_3 : vector<1x1x112x96xf32> to vector<112x96xf32>
    %get3A_5 = arith.constant 0 : index
    %get3A_6 = arith.constant 0 : index
    %get3A_7 = arith.constant 0 : index
    %get3A_8 = arith.constant 96 : index
    %get3A_9 = vector.load %arg2[%get3A_5, %get3A_6, %get3A_7, %get3A_8] : memref<1x2x112x192xf32, #tpu.memory_space<vmem>>, vector<1x1x112x96xf32>
    %get3A_10 = vector.shape_cast %get3A_9 : vector<1x1x112x96xf32> to vector<112x96xf32>
    %get3A_11 = arith.constant 0 : index
    %get3A_12 = arith.constant 1 : index
    %get3A_13 = arith.constant 0 : index
    %get3A_14 = arith.constant 0 : index
    %get3A_15 = vector.load %arg2[%get3A_11, %get3A_12, %get3A_13, %get3A_14] : memref<1x2x112x192xf32, #tpu.memory_space<vmem>>, vector<1x1x112x96xf32>
    %get3A_16 = vector.shape_cast %get3A_15 : vector<1x1x112x96xf32> to vector<112x96xf32>
    %get3A_17 = arith.constant 0 : index
    %get3A_18 = arith.constant 1 : index
    %get3A_19 = arith.constant 0 : index
    %get3A_20 = arith.constant 96 : index
    %get3A_21 = vector.load %arg2[%get3A_17, %get3A_18, %get3A_19, %get3A_20] : memref<1x2x112x192xf32, #tpu.memory_space<vmem>>, vector<1x1x112x96xf32>
    %get3A_22 = vector.shape_cast %get3A_21 : vector<1x1x112x96xf32> to vector<112x96xf32>
    %get3A_23 = arith.constant 0 : index
    %get3A_24 = arith.constant 0 : index
    %get3A_25 = arith.constant 0 : index
    %get3A_26 = arith.constant 0 : index
    %get3A_27 = vector.load %arg3[%get3A_23, %get3A_24, %get3A_25, %get3A_26] : memref<1x2x112x192xi32, #tpu.memory_space<vmem>>, vector<1x1x112x96xi32>
    %get3A_28 = vector.shape_cast %get3A_27 : vector<1x1x112x96xi32> to vector<112x96xi32>
    %get3A_29 = arith.constant 0 : index
    %get3A_30 = arith.constant 0 : index
    %get3A_31 = arith.constant 0 : index
    %get3A_32 = arith.constant 96 : index
    %get3A_33 = vector.load %arg3[%get3A_29, %get3A_30, %get3A_31, %get3A_32] : memref<1x2x112x192xi32, #tpu.memory_space<vmem>>, vector<1x1x112x96xi32>
    %get3A_34 = vector.shape_cast %get3A_33 : vector<1x1x112x96xi32> to vector<112x96xi32>
    %get3A_35 = arith.constant 0 : index
    %get3A_36 = arith.constant 1 : index
    %get3A_37 = arith.constant 0 : index
    %get3A_38 = arith.constant 0 : index
    %get3A_39 = vector.load %arg3[%get3A_35, %get3A_36, %get3A_37, %get3A_38] : memref<1x2x112x192xi32, #tpu.memory_space<vmem>>, vector<1x1x112x96xi32>
    %get3A_40 = vector.shape_cast %get3A_39 : vector<1x1x112x96xi32> to vector<112x96xi32>
    %get3A_41 = arith.constant 0 : index
    %get3A_42 = arith.constant 1 : index
    %get3A_43 = arith.constant 0 : index
    %get3A_44 = arith.constant 96 : index
    %get3A_45 = vector.load %arg3[%get3A_41, %get3A_42, %get3A_43, %get3A_44] : memref<1x2x112x192xi32, #tpu.memory_space<vmem>>, vector<1x1x112x96xi32>
    %get3A_46 = vector.shape_cast %get3A_45 : vector<1x1x112x96xi32> to vector<112x96xi32>
    %lt3A = arith.cmpi slt, %get3A_34, %get3A_28 : vector<112x96xi32>
    %select_n3A = arith.select %lt3A, %get3A_10, %get3A_4 : vector<112x96xi1>, vector<112x96xf32>
    %select_n3A_47 = arith.select %lt3A, %get3A_34, %get3A_28 : vector<112x96xi1>, vector<112x96xi32>
    %lt3A_48 = arith.cmpi slt, %get3A_40, %select_n3A_47 : vector<112x96xi32>
    %select_n3A_49 = arith.select %lt3A_48, %get3A_16, %select_n3A : vector<112x96xi1>, vector<112x96xf32>
    %select_n3A_50 = arith.select %lt3A_48, %get3A_40, %select_n3A_47 : vector<112x96xi1>, vector<112x96xi32>
    %lt3A_51 = arith.cmpi slt, %get3A_46, %select_n3A_50 : vector<112x96xi32>
    %select_n3A_52 = arith.select %lt3A_51, %get3A_22, %select_n3A_49 : vector<112x96xi1>, vector<112x96xf32>
    %swap3A = arith.constant 0 : index
    %swap3A_53 = arith.constant 0 : index
    %swap3A_54 = arith.constant 0 : index
    %swap3A_55 = arith.constant 0 : index
    %swap3A_56 = vector.load %arg4[%swap3A, %swap3A_53, %swap3A_54, %swap3A_55] : memref<1x1x112x96xf32, #tpu.memory_space<vmem>>, vector<1x1x112x96xf32>
    %swap3A_57 = vector.shape_cast %swap3A_56 : vector<1x1x112x96xf32> to vector<112x96xf32>
    %swap3A_58 = vector.shape_cast %select_n3A_52 : vector<112x96xf32> to vector<1x1x112x96xf32>
    tpu.vector_store %arg4[%swap3A, %swap3A_53, %swap3A_54, %swap3A_55], %swap3A_58 {strides = array<i32>} : memref<1x1x112x96xf32, #tpu.memory_space<vmem>>, vector<1x1x112x96xf32>,
    return
  }
  func.func @transform_0(%arg0: i32, %arg1: i32) -> (i32, i32, i32, i32) {
    %c0_i32 = arith.constant 0 : i32
    %c0_i32_0 = arith.constant 0 : i32
    %c0_i32_1 = arith.constant 0 : i32
    return %arg0, %arg1, %c0_i32, %c0_i32_0 : i32, i32, i32, i32
  }
  func.func @transform_1(%arg0: i32, %arg1: i32) -> (i32, i32, i32, i32) {
    %c0_i32 = arith.constant 0 : i32
    %c0_i32_0 = arith.constant 0 : i32
    %c0_i32_1 = arith.constant 0 : i32
    return %arg0, %arg1, %c0_i32, %c0_i32_0 : i32, i32, i32, i32
  }
  func.func @transform_2(%arg0: i32, %arg1: i32) -> (i32, i32, i32, i32) {
    %c0_i32 = arith.constant 0 : i32
    %c0_i32_0 = arith.constant 0 : i32
    %c0_i32_1 = arith.constant 0 : i32
    return %arg0, %arg1, %c0_i32, %c0_i32_0 : i32, i32, i32, i32
  }
}

</mosaic_0001>

<sc_bundles>
// kernel: kernel.11.cloned.1.call-start
scs
__scs_entry_jumppad:
0x0: {  	(pc) =	sbr.rel $0x88, $3  }
0x1: {  	(tag) =	ssettag $0x0;
	lr =	simm.s32 $0x1  }
0x2: {  	[smem:$0x3FA0] =	sst lr;
	_ =	strace $0xD0000000  }
0x3: {  	_ = 	snop  }
0x4: {  	_ = 	snop  }
0x5: {  	_ = 	snop  }
0x6: {  	_ = 	snop  }
0x7: {  	_ = 	snop  }
__scs_overlays_trampoline_lowered:
0x8: {  	[smem:$0x3FAF] =	sst s0  }
0x9: {  	[smem:$0x3FB0] =	sst s1  }
0xa: {  	[smem:$0x3FB1] =	sst s2  }
0xb: {  	[smem:$0x3FB2] =	sst s3  }
0xc: {  	[smem:$0x3FB3] =	sst s4  }
0xd: {  	[smem:$0x3FB4] =	sst s5  }
0xe: {  	[smem:$0x3FB5] =	sst s6  }
0xf: {  	[smem:$0x3FB6] =	sst s7  }
0x10: {  	[smem:$0x3FB7] =	sst s8  }
0x11: {  	[smem:$0x3FB8] =	sst s9;
	s0 =	simm.s32 @!p0 $0x0  }
0x12: {  	s1 =	sld [smem:$0x3F9E];
	s0 =	simm.s32 @p0 $0x1  }
0x13: {  	[smem:$0x3FB9] =	sst s0;
	s0 =	simm.s32 @!p1 $0x0  }
0x14: {  	s2 =	sld [smem:$0x3F9D];
	s0 =	simm.s32 @p1 $0x1  }
0x15: {  	[smem:$0x3FBA] =	sst s0;
	s0 =	simm.s32 @!p2 $0x0  }
0x16: {  	s3 =	sld [smem:$0x3FDB];
	s0 =	simm.s32 @p2 $0x1  }
0x17: {  	s4 =	simm.s32 $0x1BF5;
	[smem:$0x3FBC] =	sst s0  }
0x18: {  	s0 =	sld [smem:$0x3F9F];
	_ =	swait.ge [sflag:s4], $0x0  }
0x19: {  	s7 =	sld [smem:$0x3FA0]  }
0x1a: {  	s8 =	sadd.s32 $0xFFFFE003, lr  }
0x1b: {  	s9 =	sadd.s32 $0xFFFFFEF7, lr;
	s5 =	simm.s32 $0xFFFFFFFF;
	p2 =	slt.u32 s8, $0xFFFFF086  }
0x1c: {  	p1 =	slt.u32 s9, $0xF7A;
	s5 =	simm.s32 @!p2 $0x0  }
0x1d: {  	s5 =	simm.s32 @p1 $0x1;
	p0 =	seq.s32 s7, s2  }
0x1e: {  	s7 =	smul.u32 @!p0 $0xF7A, s2;
	p2 =	seq.s32 @!p0 s5, $0x0  }
0x1f: {  	s9 =	smul.u32 $0xF7A, s1;
	s8 =	simm.s32 @!p0 $0x1BF5;
	p2 =	por !p2, p0  }
0x20: {  	[sflag:s8] =	ssyncset.s32 @!p0 $0xFFFFF086;
	s6 =	sadd.s32 @!p0 s3, s7;
	s7 =	simm.s32 @!p0 $0x108  }
0x21: {  	s3 =	sadd.s32 s3, s9;
	s6 =	sadd.s32 @!p0 $0x88, s6;
	s7 =	simm.s32 @p2 $0x1082  }
0x22: {  	[simem:s7], [sflag:s8] =	dma.local @!p0 [hbm:s6], $0xF7A  }
0x23: {  	s9 =	sor.u32 $0xD0000000, s2;
	s6 =	simm.s32 $0x108;
	_ =	swait.ge @!p0 [sflag:s8], $0x0  }
0x24: {  	s3 =	sadd.s32 $0x88, s3;
	s6 =	simm.s32 @!p1 $0x1082;
	[sflag:s4] =	ssyncset.s32 $0xFFFFF086  }
0x25: {  	[simem:s6], [sflag:s4] =	dma.local [hbm:s3], $0xF7A  }
0x26: {  	[smem:$0x3FA0] =	sst s1;
	(tag) =	ssettag s2;
	_ =	strace s9  }
0x27: {  	s1 =	sld [smem:$0x3FB0]  }
0x28: {  	s2 =	sld [smem:$0x3FB1]  }
0x29: {  	s4 =	sld [smem:$0x3FB3]  }
0x2a: {  	p0 =	seq.s32 s5, $0x0;
	s5 =	sld [smem:$0x3FB4]  }
0x2b: {  	s6 =	sld [smem:$0x3FB5]  }
0x2c: {  	s7 =	sld [smem:$0x3FB6]  }
0x2d: {  	s3 =	simm.s32 $0x108;
	s8 =	sld [smem:$0x3FB7]  }
0x2e: {  	s3 =	simm.s32 @!p0 $0x1082;
	s9 =	sld [smem:$0x3FB8]  }
0x2f: {  	lr =	sadd.s32 s0, s3;
	s0 =	sld [smem:$0x3FAF]  }
0x30: {  	s3 =	sld [smem:$0x3FB2]  }
0x31: {  	[smem:$0x3FBB] =	sst s10  }
0x32: {  	s10 =	sld [smem:$0x3FB9];
	_ =	sdelay $0x3  }
0x33: {  	p0 =	seq.s32 s10, $0x1;
	s10 =	sld [smem:$0x3FBB];
	_ =	sdelay $0x3  }
0x34: {  	[smem:$0x3FBB] =	sst s10  }
0x35: {  	s10 =	sld [smem:$0x3FBA];
	_ =	sdelay $0x3  }
0x36: {  	p1 =	seq.s32 s10, $0x1;
	s10 =	sld [smem:$0x3FBB];
	_ =	sdelay $0x3  }
0x37: {  	[smem:$0x3FBB] =	sst s10  }
0x38: {  	s10 =	sld [smem:$0x3FBC]  }
0x39: {  	_ = 	snop;
	(pc) =	sbr.ind lr, $3  }
0x3a: {  	_ = 	snop  }
0x3b: {  	_ = 	snop  }
0x3c: {  	p2 =	seq.s32 s10, $0x1;
	s10 =	sld [smem:$0x3FBB]  }
0x3d: {  	_ =	shalt  }
0x3e: {  	_ =	shalt  }
0x3f: {  	_ =	shalt  }
0x40: {  	_ =	shalt  }
0x41: {  	_ =	shalt  }
0x42: {  	_ =	shalt  }
0x43: {  	_ =	shalt  }
0x44: {  	_ =	shalt  }
0x45: {  	_ =	shalt  }
0x46: {  	_ =	shalt  }
0x47: {  	_ =	shalt  }
0x48: {  	_ =	shalt  }
0x49: {  	_ =	shalt  }
0x4a: {  	_ =	shalt  }
0x4b: {  	_ =	shalt  }
0x4c: {  	_ =	shalt  }
0x4d: {  	_ =	shalt  }
0x4e: {  	_ =	shalt  }
0x4f: {  	_ =	shalt  }
0x50: {  	_ =	shalt  }
0x51: {  	_ =	shalt  }
0x52: {  	_ =	shalt  }
0x53: {  	_ =	shalt  }
0x54: {  	_ =	shalt  }
0x55: {  	_ =	shalt  }
0x56: {  	_ =	shalt  }
0x57: {  	_ =	shalt  }
0x58: {  	_ =	shalt  }
0x59: {  	_ =	shalt  }
0x5a: {  	_ =	shalt  }
0x5b: {  	_ =	shalt  }
0x5c: {  	_ =	shalt  }
0x5d: {  	_ =	shalt  }
0x5e: {  	_ =	shalt  }
0x5f: {  	_ =	shalt  }
0x60: {  	_ =	shalt  }
0x61: {  	_ =	shalt  }
0x62: {  	_ =	shalt  }
0x63: {  	_ =	shalt  }
0x64: {  	_ =	shalt  }
0x65: {  	_ =	shalt  }
0x66: {  	_ =	shalt  }
0x67: {  	_ =	shalt  }
0x68: {  	_ =	shalt  }
0x69: {  	_ =	shalt  }
0x6a: {  	_ =	shalt  }
0x6b: {  	_ =	shalt  }
0x6c: {  	_ =	shalt  }
0x6d: {  	_ =	shalt  }
0x6e: {  	_ =	shalt  }
0x6f: {  	_ =	shalt  }
0x70: {  	_ =	shalt  }
0x71: {  	_ =	shalt  }
0x72: {  	_ =	shalt  }
0x73: {  	_ =	shalt  }
0x74: {  	_ =	shalt  }
0x75: {  	_ =	shalt  }
0x76: {  	_ =	shalt  }
0x77: {  	_ =	shalt  }
0x78: {  	_ =	shalt  }
0x79: {  	_ =	shalt  }
0x7a: {  	_ =	shalt  }
0x7b: {  	_ =	shalt  }
0x7c: {  	_ =	shalt  }
0x7d: {  	_ =	shalt  }
0x7e: {  	_ =	shalt  }
0x7f: {  	_ =	shalt  }
0x80: {  	_ =	shalt  }
0x81: {  	_ =	shalt  }
0x82: {  	_ =	shalt  }
0x83: {  	_ =	shalt  }
0x84: {  	_ =	shalt  }
0x85: {  	_ =	shalt  }
0x86: {  	_ =	shalt  }
0x87: {  	_ =	shalt  }
.Lfunc_end0:
.L_simem_size_0:
called_computation.1_lowered:
.L_overlay_start_0:
0x88: {  	s2 =	sld [smem:$0x3FD9]  }
0x89: {  	s3 =	sld [smem:$0x3FFE];
	_ =	sdelay $0x1  }
0x8a: {  	s1 =	srdreg.scid  }
0x8b: {  	s0 =	sand.u32 $0x1, s1  }
0x8c: {  	s17 =	sshll.u32 s0, $0xA;
	s2 =	sadd.s32 s3, s2  }
0x8d: {  	s2 =	sadd.s32 s2, s17  }
0x8e: {  	[smem:$0x3FC7] =	sst s2  }
0x8f: {  	_ = 	snop  }
0x90: {  	s2 =	sld [smem:$0x3FD0];
	(tm) =	ssettm $0x1  }
0x91: {  	s18 =	sld [smem:$0x3FFB];
	_ =	sdelay $0x3  }
0x92: {  	_ =	strace s18  }
0x93: {  	s3 =	sld [smem:$0x3FFC];
	_ =	sdelay $0x3  }
0x94: {  	_ =	strace s3  }
0x95: {  	s3 =	sld [smem:$0x3FFD];
	_ =	sdelay $0x3  }
0x96: {  	_ =	strace s3  }
0x97: {  	_ =	strace $0x8FFFFFFF  }
0x98: {  	s19 =	sld [smem:$0x3FDB];
	_ =	sdelay $0x1  }
0x99: {  	s4 =	simm.s32 $_scs_section_size  }
0x9a: {  	s5 =	simm.s32 $_size__tile_overlayer_lowered;
	s6 =	simm.s32 $_tile_overlayer_lowered  }
0x9b: {  	s22 =	simm.s32 $0x1BFF;
	s21 =	sshll.u32 s6, $0x1;
	s3 =	sadd.s32 s4, s19  }
0x9c: {  	s7 =	simm.s32 $0x0;
	s20 =	sshll.u32 s5, $0x1;
	s5 =	sadd.s32 s21, s3  }
0x9d: {  	[timem:s7], [sflag:s22] =	dma.local [hbm:s5], s20  }
0x9e: {  	_ =	swait.ge [sflag:s22], s20  }
0x9f: {  	s4 =	ssub.s32 $0x0, s20;
	[sflag:s22] =	ssyncset.done $0x0  }
0xa0: {  	[sflag:s22] =	ssyncadd.s32 s4;
	_ =	sdelay $0x1  }
0xa1: {  	s23 =	simm.s32 $0x1B8B  }
0xa2: {  	_ =	swait.ge [sflag:s23], $0x1  }
0xa3: {  	[sflag:s23] =	ssyncset.done $0x0  }
0xa4: {  	s25 =	simm.s32 $0x1B8E;
	s24 =	sld [smem:$0x3FFE];
	[sflag:s23] =	ssyncadd.s32 $0xFFFFFFFF  }
0xa5: {  	s26 =	simm.s32 $execute0_lowered;
	[smem:$0x3FD2] =	sst s25  }
0xa6: {  	s5 =	sshll.u32 s26, $0x1;
	_ =	strace $0x80000049;
	[dreg:$0x1] =	wrdreg $0xFFFFFFFF  }
0xa7: {  	s28 =	simm.s32 $_size_execute0_lowered;
	s3 =	sadd.s32 s3, s5;
	[dreg:$0x0] =	wrdreg $0x0  }
0xa8: {  	s5 =	sshll.u32 s28, $0x1;
	[dreg:$0x2] =	wrdreg s3  }
0xa9: {  	[dreg:$0x3] =	wrdreg s5  }
0xaa: {  	[dreg:$0x4] =	wrdreg $0xC0  }
0xab: {  	_ =	task [dreg:s7], $0x5FFFF  }
0xac: {  	[dreg:$0x1] =	wrdreg $0xFFFFFFFF  }
0xad: {  	[dreg:$0x0] =	wrdreg $0x60  }
0xae: {  	[dreg:$0x2] =	wrdreg s24  }
0xaf: {  	[dreg:$0x3] =	wrdreg s2  }
0xb0: {  	[dreg:$0x4] =	wrdreg $0x9  }
0xb1: {  	_ =	task.clear_ibuf [dreg:s7], $0x5FFFF;
	_ =	strace $0x90000049  }
0xb2: {  	s29 =	simm.s32 $0x9;
	_ =	strace $0x8000004B  }
0xb3: {  	_ =	swait.ge [sflag:s29], $0x1  }
0xb4: {  	[sflag:s29] =	ssyncadd.s32 $0xFFFFFFFF  }
0xb5: {  	_ =	strace $0x9000004B  }
0xb6: {  	_ =	sfence  }
0xb7: {  	s30 =	sld [smem:$0x0];
	_ =	sdelay $0x2  }
0xb8: {  	s31 =	sshll.u32 s1, $0xD;
	s1 =	sshrl.u32 s1, $0x2  }
0xb9: {  	s3 =	sand.u32 $0x4000, s31;
	s1 =	sadd.s32 s1, s30  }
0xba: {  	s0 =	sor.u32 s3, s0;
	s1 =	sshll.u32 s1, $0x11  }
0xbb: {  	s0 =	sor.u32 s1, s0  }
0xbc: {  	s0 =	sadd.s32 $0x8F2B, s0  }
0xbd: {  	[sflag:s0] =	ssyncadd.remote.s32 $0x1  }
0xbe: {  	_ =	sfence.sel $0xFFFF  }
0xbf: {  	[dreg:$0x0] =	wrdreg $0xFFFFFFFF;
	(pc) =	sbr.abs _section_cstart, $3  }
0xc0: {  	[dreg:$0x1] =	wrdreg $0xFFFFFFFF  }
0xc1: {  	_ =	task.clear_ibuf [dreg:s7], $0x2FFFF;
	_ =	strace $0x9FFFFFFF  }
0xc2: {  	(tm) =	ssettm $0x7FFFFFFF  }
0xc3: {  	_ =	shalt  }
tec
execute0_lowered:
.L_overlay_start_1:
0x0: {  	(tag) =	ssettag $0x1  }
0x1: {  	s5 =	rddreg [dreg:$0x0]  }
0x2: {  	s7 =	rddreg [dreg:$0x1]  }
0x3: {  	s0 =	rddreg [dreg:$0x2];
	s1 =	simm.s32 $0x0  }
0x4: {  	s2 =	srdreg.scid;
	s11 =	simm.s32 $0x800;
	s12 =	simm.s32 $0x3000  }
0x5: {  	s13 =	simm.s32 $0x2800;
	s14 =	simm.s32 $0x1;
	s15 =	simm.s32 $0x0  }
0x6: {  	[smem:$0x7FF] =	sst s1;
	s3 =	sadd.s32 $0x620000, s5;
	s6 =	sand.u32 $0x1, s2  }
0x7: {  	s4 =	sadd.s32 $0x800, s5;
	s2 =	stileid.u32;
	s8 =	ssub.s32 $0x2, s6  }
0x8: {  	s5 =	sadd.s32 $0xAB8000, s5;
	s6 =	sshll.u32 s6, $0x4;
	s9 =	sshrl.u32 s8, $0x1  }
0x9: {  	_ =	strace $0x8000004A;
	s10 =	sor.u32 s2, s6;
	s8 =	ssub.s32 s8, s9  }
0xa: {  	s6 =	smul.u32 $0x126000, s10;
	s31 =	sshll.u32 s10, $0xA;
	s9 =	simm.s32 $0x2  }
0xb: {  	s10 =	simm.s32 $0x2000;
	s7 =	sadd.s32 s7, s31;
	s8 =	smax.u32 s8, $0x1  }
.LBB2_1:
0xc: {  	[tilespmem:s1], [sflag:$0x2] =	stream.linear.gather [hbm4b:s7+s1], $0x2000, $0x38;
	[tilespmem:$0x3800] =	vst v63  }
0xd: {  	_ =	swait.ge [sflag:s9], $0x2000  }
0xe: {  	[sflag:s9] =	ssyncset.done $0x0  }
0xf: {  	s16 =	simm.s32 $0x0;
	[sflag:s9] =	ssyncadd.s32 $0xFFFFE000  }
.LBB2_2:
0x10: {  	s17 =	sshll.u32 s16, $0xB  }
0x11: {  	s17 =	sadd.s32 s6, s17  }
0x12: {  	s17 =	sshrl.u32 s17, $0x3  }
0x13: {  	s19 =	simm.s32 $0x0;
	s18 =	sadd.s32 s3, s17  }
0x14: {  	[tilespmem:s10], [sflag:$0x2] =	stream.linear.gather [hbm4b:s18+s19], $0x800, $0x38;
	[tilespmem:$0x3800] =	vst v63  }
0x15: {  	_ =	swait.ge [sflag:s9], $0x800  }
0x16: {  	[sflag:s9] =	ssyncset.done $0x0  }
0x17: {  	s18 =	simm.s32 $0x0;
	[sflag:s9] =	ssyncadd.s32 $0xFFFFF800  }
0x18: {  	v0 =	vld [tilespmem:s18+$0x2000];
	_ =	sdelay $0x4  }
0x19: {  	v0 =	vadd.f32 $0.0e+00, v0;
	_ =	sdelay $0x1  }
0x1a: {  	v1 =	vshrl.u32 v0, $0x13  }
0x1b: {  	(xrf1) =	vunique.msk.u32 $0xffff, v1;
	_ =	sdelay $0xd  }
0x1c: {  	v3 =	vld.idx.msk [tilespmem:v1+s1+$0x0], $0xffff;
	_, v2, vm0 =	vpop (xrf1);
	_ =	sdelay $0x4  }
0x1d: {  	v3 =	vadd.s32 v2, v3  }
0x1e: {  	s20 =	simm.s32 $0x10;
	[tilespmem:v1+s1+$0x0] =	vst.idx.add.s32.msk vm0, v2;
	v2 =	vadd.s32 $0xFFFFFFFF, v3  }
0x1f: {  	s19 =	simm.s32 $0x80;
	v0 =	vand.u32 $0x7FFFF, v0;
	v1 =	vld [tilespmem:s20+$0x2000];
	[tilespmem:s18+$0x3000] =	vst v2  }
.LBB2_3:
0x20: {  	p0 =	sne.s32 s19, $0x1FC0;
	[tilespmem:s18+$0x2800] =	vst v0;
	s18 =	smov.u32 s20;
	_ =	sdelay $0x3  }
0x21: {  	v0 =	vadd.f32 $0.0e+00, v1;
	_ =	sdelay $0x1  }
0x22: {  	v1 =	vshrl.u32 v0, $0x13;
	v0 =	vand.u32 $0x7FFFF, v0  }
0x23: {  	(xrf1) =	vunique.msk.u32 $0xffff, v1;
	_ =	sdelay $0xc  }
0x24: {  	v2 =	vld.idx.msk [tilespmem:v1+s1+$0x0], $0xffff  }
0x25: {  	_, v3, vm0 =	vpop (xrf1);
	_ =	sdelay $0x2  }
.Ltmp0:
0x26: {  	(pc) =	sbr.rel @p0 .LBB2_3-.Ltmp0, $4  }
0x27: {  	_ = 	snop  }
0x28: {  	v2 =	vadd.s32 v3, v2  }
0x29: {  	s20 =	sshra.s32 s19, $0x2;
	v2 =	vadd.s32 $0xFFFFFFFF, v2;
	[tilespmem:v1+s1+$0x0] =	vst.idx.add.s32.msk vm0, v3  }
0x2a: {  	s19 =	sadd.s32 $0x40, s19;
	v1 =	vld [tilespmem:s20+$0x2000];
	[tilespmem:s18+$0x3000] =	vst v2  }
0x2b: {  	_ =	sdelay $0x3  }
0x2c: {  	v1 =	vadd.f32 $0.0e+00, v1;
	_ =	sdelay $0x1  }
0x2d: {  	v2 =	vshrl.u32 v1, $0x13  }
0x2e: {  	(xrf1) =	vunique.msk.u32 $0xffff, v2;
	_ =	sdelay $0xc  }
0x2f: {  	[tilespmem:s18+$0x2800] =	vst v0  }
0x30: {  	v0 =	vld.idx.msk [tilespmem:v2+s1+$0x0], $0xffff;
	_, v3, vm0 =	vpop (xrf1);
	_ =	sdelay $0x4  }
0x31: {  	v0 =	vadd.s32 v3, v0  }
0x32: {  	v0 =	vadd.s32 $0xFFFFFFFF, v0;
	[tilespmem:v2+s1+$0x0] =	vst.idx.add.s32.msk vm0, v3  }
0x33: {  	v1 =	vand.u32 $0x7FFFF, v1;
	[tilespmem:s20+$0x3000] =	vst v0  }
0x34: {  	[tilespmem:s20+$0x2800] =	vst v1  }
0x35: {  	[hbm4b:s4+s11] =	stream.indirect.scatter [tilespmem:s13], [sflag:$0x1], $0x1, s12, s11, $0xb8;
	[tilespmem:$0x3800] =	vst v63  }
0x36: {  	s17 =	sadd.s32 s5, s17;
	s16 =	sadd.s32 $0x1, s16  }
0x37: {  	[hbm4b:s17+s1] =	stream.linear.scatter [tilespmem:s12], [sflag:$0x1], $0x800, $0x38;
	[tilespmem:$0x3800] =	vst v63  }
0x38: {  	p0 =	sne.s32 s16, $0x24C;
	_ =	swait.ge [sflag:s14], $0x800  }
.Ltmp1:
0x39: {  	[sflag:s14] =	ssyncset.done $0x0;
	(pc) =	sbr.rel @p0 .LBB2_2-.Ltmp1, $4  }
0x3a: {  	[sflag:s14] =	ssyncadd.s32 $0xFFFFF800  }
0x3b: {  	_ =	swait.ge [sflag:s14], $0x800  }
0x3c: {  	[sflag:s14] =	ssyncset.done $0x0  }
0x3d: {  	[sflag:s14] =	ssyncadd.s32 $0xFFFFF800  }
0x3e: {  	s15 =	sadd.s32 $0x1, s15  }
0x3f: {  	p0 =	sne.s32 s15, s8  }
.Ltmp2:
0x40: {  	_ = 	snop;
	(pc) =	sbr.rel @p0 .LBB2_1-.Ltmp2, $1  }
0x41: {  	_ =	sdelay $0x3  }
0x42: {  	_ =	sfence.sel $0x180000  }
0x43: {  	[bflag:$0x0] =	sbarrier.arrive $0xFFFF  }
0x44: {  	p0 =	sne.s32 s2, $0x0;
	_ =	strace $0x9000004A  }
0x45: {  	s0 =	sadd.s32 @!p0 $0x100000, s0;
	[bflag:$0x2] =	sbarrier.arrive $0xFFFF  }
0x46: {  	[sflag:s0] =	ssyncadd.tile.s32 @!p0 $0x1;
	_ =	shalt  }
.Lfunc_end2:
_tile_overlayer_lowered:
.L_overlay_start_2:
0x47: {  	(tag) =	ssettag $0x2  }
0x48: {  	s0 =	rddreg [dreg:$0x0];
	s2 =	stileid.u32  }
0x49: {  	s1 =	rddreg [dreg:$0x1];
	p0 =	sne.s32 s2, $0x0  }
0x4a: {  	s3 =	rddreg [dreg:$0x2];
	[bflag:$0x3] =	sbarrier.arrive $0xFFFF;
	s2 =	simm.s32 @!p0 $0x1C02  }
0x4b: {  	[timem:s3], [sflag:s2] =	dma.local @!p0 [hbm:s0], s1  }
0x4c: {  	s0 =	simm.s32 @!p0 $0x2  }
0x4d: {  	_ =	swait.ge @!p0 [sflag:s0], s1  }
0x4e: {  	s1 =	ssub.s32 @!p0 $0x0, s1;
	[sflag:s0] =	ssyncset.done @!p0 $0x0  }
0x4f: {  	[sflag:s0] =	ssyncadd.s32 @!p0 s1  }
0x50: {  	[bflag:$0x3] =	sbarrier.arrive $0xFFFF  }
0x51: {  	_ =	shalt  }

// kernel: kernel.14.cloned.1.call-start
scs
__scs_entry_jumppad:
0x0: {  	(pc) =	sbr.rel $0x88, $3  }
0x1: {  	(tag) =	ssettag $0x0;
	lr =	simm.s32 $0x1  }
0x2: {  	[smem:$0x3FA0] =	sst lr;
	_ =	strace $0xD0000000  }
0x3: {  	_ = 	snop  }
0x4: {  	_ = 	snop  }
0x5: {  	_ = 	snop  }
0x6: {  	_ = 	snop  }
0x7: {  	_ = 	snop  }
__scs_overlays_trampoline_lowered:
0x8: {  	[smem:$0x3FAF] =	sst s0  }
0x9: {  	[smem:$0x3FB0] =	sst s1  }
0xa: {  	[smem:$0x3FB1] =	sst s2  }
0xb: {  	[smem:$0x3FB2] =	sst s3  }
0xc: {  	[smem:$0x3FB3] =	sst s4  }
0xd: {  	[smem:$0x3FB4] =	sst s5  }
0xe: {  	[smem:$0x3FB5] =	sst s6  }
0xf: {  	[smem:$0x3FB6] =	sst s7  }
0x10: {  	[smem:$0x3FB7] =	sst s8  }
0x11: {  	[smem:$0x3FB8] =	sst s9;
	s0 =	simm.s32 @!p0 $0x0  }
0x12: {  	s1 =	sld [smem:$0x3F9E];
	s0 =	simm.s32 @p0 $0x1  }
0x13: {  	[smem:$0x3FB9] =	sst s0;
	s0 =	simm.s32 @!p1 $0x0  }
0x14: {  	s2 =	sld [smem:$0x3F9D];
	s0 =	simm.s32 @p1 $0x1  }
0x15: {  	[smem:$0x3FBA] =	sst s0;
	s0 =	simm.s32 @!p2 $0x0  }
0x16: {  	s3 =	sld [smem:$0x3FDB];
	s0 =	simm.s32 @p2 $0x1  }
0x17: {  	s4 =	simm.s32 $0x1BF5;
	[smem:$0x3FBC] =	sst s0  }
0x18: {  	s0 =	sld [smem:$0x3F9F];
	_ =	swait.ge [sflag:s4], $0x0  }
0x19: {  	s7 =	sld [smem:$0x3FA0]  }
0x1a: {  	s8 =	sadd.s32 $0xFFFFE003, lr  }
0x1b: {  	s9 =	sadd.s32 $0xFFFFFEF7, lr;
	s5 =	simm.s32 $0xFFFFFFFF;
	p2 =	slt.u32 s8, $0xFFFFF086  }
0x1c: {  	p1 =	slt.u32 s9, $0xF7A;
	s5 =	simm.s32 @!p2 $0x0  }
0x1d: {  	s5 =	simm.s32 @p1 $0x1;
	p0 =	seq.s32 s7, s2  }
0x1e: {  	s7 =	smul.u32 @!p0 $0xF7A, s2;
	p2 =	seq.s32 @!p0 s5, $0x0  }
0x1f: {  	s9 =	smul.u32 $0xF7A, s1;
	s8 =	simm.s32 @!p0 $0x1BF5;
	p2 =	por !p2, p0  }
0x20: {  	[sflag:s8] =	ssyncset.s32 @!p0 $0xFFFFF086;
	s6 =	sadd.s32 @!p0 s3, s7;
	s7 =	simm.s32 @!p0 $0x108  }
0x21: {  	s3 =	sadd.s32 s3, s9;
	s6 =	sadd.s32 @!p0 $0x88, s6;
	s7 =	simm.s32 @p2 $0x1082  }
0x22: {  	[simem:s7], [sflag:s8] =	dma.local @!p0 [hbm:s6], $0xF7A  }
0x23: {  	s9 =	sor.u32 $0xD0000000, s2;
	s6 =	simm.s32 $0x108;
	_ =	swait.ge @!p0 [sflag:s8], $0x0  }
0x24: {  	s3 =	sadd.s32 $0x88, s3;
	s6 =	simm.s32 @!p1 $0x1082;
	[sflag:s4] =	ssyncset.s32 $0xFFFFF086  }
0x25: {  	[simem:s6], [sflag:s4] =	dma.local [hbm:s3], $0xF7A  }
0x26: {  	[smem:$0x3FA0] =	sst s1;
	(tag) =	ssettag s2;
	_ =	strace s9  }
0x27: {  	s1 =	sld [smem:$0x3FB0]  }
0x28: {  	s2 =	sld [smem:$0x3FB1]  }
0x29: {  	s4 =	sld [smem:$0x3FB3]  }
0x2a: {  	p0 =	seq.s32 s5, $0x0;
	s5 =	sld [smem:$0x3FB4]  }
0x2b: {  	s6 =	sld [smem:$0x3FB5]  }
0x2c: {  	s7 =	sld [smem:$0x3FB6]  }
0x2d: {  	s3 =	simm.s32 $0x108;
	s8 =	sld [smem:$0x3FB7]  }
0x2e: {  	s3 =	simm.s32 @!p0 $0x1082;
	s9 =	sld [smem:$0x3FB8]  }
0x2f: {  	lr =	sadd.s32 s0, s3;
	s0 =	sld [smem:$0x3FAF]  }
0x30: {  	s3 =	sld [smem:$0x3FB2]  }
0x31: {  	[smem:$0x3FBB] =	sst s10  }
0x32: {  	s10 =	sld [smem:$0x3FB9];
	_ =	sdelay $0x3  }
0x33: {  	p0 =	seq.s32 s10, $0x1;
	s10 =	sld [smem:$0x3FBB];
	_ =	sdelay $0x3  }
0x34: {  	[smem:$0x3FBB] =	sst s10  }
0x35: {  	s10 =	sld [smem:$0x3FBA];
	_ =	sdelay $0x3  }
0x36: {  	p1 =	seq.s32 s10, $0x1;
	s10 =	sld [smem:$0x3FBB];
	_ =	sdelay $0x3  }
0x37: {  	[smem:$0x3FBB] =	sst s10  }
0x38: {  	s10 =	sld [smem:$0x3FBC]  }
0x39: {  	_ = 	snop;
	(pc) =	sbr.ind lr, $3  }
0x3a: {  	_ = 	snop  }
0x3b: {  	_ = 	snop  }
0x3c: {  	p2 =	seq.s32 s10, $0x1;
	s10 =	sld [smem:$0x3FBB]  }
0x3d: {  	_ =	shalt  }
0x3e: {  	_ =	shalt  }
0x3f: {  	_ =	shalt  }
0x40: {  	_ =	shalt  }
0x41: {  	_ =	shalt  }
0x42: {  	_ =	shalt  }
0x43: {  	_ =	shalt  }
0x44: {  	_ =	shalt  }
0x45: {  	_ =	shalt  }
0x46: {  	_ =	shalt  }
0x47: {  	_ =	shalt  }
0x48: {  	_ =	shalt  }
0x49: {  	_ =	shalt  }
0x4a: {  	_ =	shalt  }
0x4b: {  	_ =	shalt  }
0x4c: {  	_ =	shalt  }
0x4d: {  	_ =	shalt  }
0x4e: {  	_ =	shalt  }
0x4f: {  	_ =	shalt  }
0x50: {  	_ =	shalt  }
0x51: {  	_ =	shalt  }
0x52: {  	_ =	shalt  }
0x53: {  	_ =	shalt  }
0x54: {  	_ =	shalt  }
0x55: {  	_ =	shalt  }
0x56: {  	_ =	shalt  }
0x57: {  	_ =	shalt  }
0x58: {  	_ =	shalt  }
0x59: {  	_ =	shalt  }
0x5a: {  	_ =	shalt  }
0x5b: {  	_ =	shalt  }
0x5c: {  	_ =	shalt  }
0x5d: {  	_ =	shalt  }
0x5e: {  	_ =	shalt  }
0x5f: {  	_ =	shalt  }
0x60: {  	_ =	shalt  }
0x61: {  	_ =	shalt  }
0x62: {  	_ =	shalt  }
0x63: {  	_ =	shalt  }
0x64: {  	_ =	shalt  }
0x65: {  	_ =	shalt  }
0x66: {  	_ =	shalt  }
0x67: {  	_ =	shalt  }
0x68: {  	_ =	shalt  }
0x69: {  	_ =	shalt  }
0x6a: {  	_ =	shalt  }
0x6b: {  	_ =	shalt  }
0x6c: {  	_ =	shalt  }
0x6d: {  	_ =	shalt  }
0x6e: {  	_ =	shalt  }
0x6f: {  	_ =	shalt  }
0x70: {  	_ =	shalt  }
0x71: {  	_ =	shalt  }
0x72: {  	_ =	shalt  }
0x73: {  	_ =	shalt  }
0x74: {  	_ =	shalt  }
0x75: {  	_ =	shalt  }
0x76: {  	_ =	shalt  }
0x77: {  	_ =	shalt  }
0x78: {  	_ =	shalt  }
0x79: {  	_ =	shalt  }
0x7a: {  	_ =	shalt  }
0x7b: {  	_ =	shalt  }
0x7c: {  	_ =	shalt  }
0x7d: {  	_ =	shalt  }
0x7e: {  	_ =	shalt  }
0x7f: {  	_ =	shalt  }
0x80: {  	_ =	shalt  }
0x81: {  	_ =	shalt  }
0x82: {  	_ =	shalt  }
0x83: {  	_ =	shalt  }
0x84: {  	_ =	shalt  }
0x85: {  	_ =	shalt  }
0x86: {  	_ =	shalt  }
0x87: {  	_ =	shalt  }
.Lfunc_end0:
.L_simem_size_0:
called_computation.2_lowered:
.L_overlay_start_0:
0x88: {  	s2 =	sld [smem:$0x3FD9]  }
0x89: {  	s3 =	sld [smem:$0x3FFE];
	_ =	sdelay $0x1  }
0x8a: {  	s1 =	srdreg.scid  }
0x8b: {  	s0 =	sand.u32 $0x1, s1  }
0x8c: {  	s16 =	sshll.u32 s0, $0xA;
	s2 =	sadd.s32 s3, s2  }
0x8d: {  	s2 =	sadd.s32 s2, s16  }
0x8e: {  	[smem:$0x3FC7] =	sst s2  }
0x8f: {  	_ = 	snop  }
0x90: {  	(tm) =	ssettm $0x1  }
0x91: {  	s17 =	sld [smem:$0x3FFB];
	_ =	sdelay $0x3  }
0x92: {  	_ =	strace s17  }
0x93: {  	s2 =	sld [smem:$0x3FFC];
	_ =	sdelay $0x3  }
0x94: {  	_ =	strace s2  }
0x95: {  	s2 =	sld [smem:$0x3FFD];
	_ =	sdelay $0x3  }
0x96: {  	_ =	strace s2  }
0x97: {  	_ =	strace $0x8FFFFFFF  }
0x98: {  	s18 =	sld [smem:$0x3FDB];
	_ =	sdelay $0x1  }
0x99: {  	s19 =	simm.s32 $_scs_section_size  }
0x9a: {  	s4 =	simm.s32 $_size__tile_overlayer_lowered;
	s5 =	simm.s32 $_tile_overlayer_lowered  }
0x9b: {  	s22 =	simm.s32 $0x1BFF;
	s21 =	sshll.u32 s5, $0x1;
	s2 =	sadd.s32 s19, s18  }
0x9c: {  	s6 =	simm.s32 $0x0;
	s20 =	sshll.u32 s4, $0x1;
	s4 =	sadd.s32 s21, s2  }
0x9d: {  	[timem:s6], [sflag:s22] =	dma.local [hbm:s4], s20  }
0x9e: {  	_ =	swait.ge [sflag:s22], s20  }
0x9f: {  	s3 =	ssub.s32 $0x0, s20;
	[sflag:s22] =	ssyncset.done $0x0  }
0xa0: {  	[sflag:s22] =	ssyncadd.s32 s3;
	_ =	sdelay $0x1  }
0xa1: {  	s23 =	simm.s32 $0x1B8B  }
0xa2: {  	_ =	swait.ge [sflag:s23], $0x1  }
0xa3: {  	[sflag:s23] =	ssyncset.done $0x0  }
0xa4: {  	s25 =	simm.s32 $0x1B8E;
	s24 =	sld [smem:$0x3FFE];
	[sflag:s23] =	ssyncadd.s32 $0xFFFFFFFF  }
0xa5: {  	s26 =	simm.s32 $execute0_lowered;
	[smem:$0x3FD2] =	sst s25  }
0xa6: {  	s4 =	sshll.u32 s26, $0x1;
	_ =	strace $0x8000004C;
	[dreg:$0x1] =	wrdreg $0xFFFFFFFF  }
0xa7: {  	s28 =	simm.s32 $_size_execute0_lowered;
	s2 =	sadd.s32 s2, s4;
	[dreg:$0x0] =	wrdreg $0x0  }
0xa8: {  	s4 =	sshll.u32 s28, $0x1;
	[dreg:$0x2] =	wrdreg s2  }
0xa9: {  	[dreg:$0x3] =	wrdreg s4  }
0xaa: {  	[dreg:$0x4] =	wrdreg $0xC0  }
0xab: {  	_ =	task [dreg:s6], $0x5FFFF  }
0xac: {  	[dreg:$0x1] =	wrdreg $0xFFFFFFFF  }
0xad: {  	[dreg:$0x0] =	wrdreg $0x60  }
0xae: {  	[dreg:$0x2] =	wrdreg s24  }
0xaf: {  	[dreg:$0x3] =	wrdreg $0x9  }
0xb0: {  	_ =	task.clear_ibuf [dreg:s6], $0x4FFFF;
	_ =	strace $0x9000004C  }
0xb1: {  	s29 =	simm.s32 $0x9;
	_ =	strace $0x8000004E  }
0xb2: {  	_ =	swait.ge [sflag:s29], $0x1  }
0xb3: {  	[sflag:s29] =	ssyncadd.s32 $0xFFFFFFFF  }
0xb4: {  	_ =	strace $0x9000004E  }
0xb5: {  	_ =	sfence  }
0xb6: {  	s30 =	sld [smem:$0x0];
	_ =	sdelay $0x2  }
0xb7: {  	s31 =	sshll.u32 s1, $0xD;
	s1 =	sshrl.u32 s1, $0x2  }
0xb8: {  	s3 =	sand.u32 $0x4000, s31;
	s1 =	sadd.s32 s1, s30  }
0xb9: {  	s0 =	sor.u32 s3, s0;
	s1 =	sshll.u32 s1, $0x11  }
0xba: {  	s0 =	sor.u32 s1, s0  }
0xbb: {  	s0 =	sadd.s32 $0x8F2B, s0  }
0xbc: {  	[sflag:s0] =	ssyncadd.remote.s32 $0x1  }
0xbd: {  	_ =	sfence.sel $0xFFFF  }
0xbe: {  	[dreg:$0x0] =	wrdreg $0xFFFFFFFF;
	(pc) =	sbr.abs _section_cstart, $3  }
0xbf: {  	[dreg:$0x1] =	wrdreg $0xFFFFFFFF  }
0xc0: {  	_ =	task.clear_ibuf [dreg:s6], $0x2FFFF;
	_ =	strace $0x9FFFFFFF  }
0xc1: {  	(tm) =	ssettm $0x7FFFFFFF  }
tec
execute0_lowered:
.L_overlay_start_1:
0x0: {  	(tag) =	ssettag $0x1  }
0x1: {  	s1 =	rddreg [dreg:$0x0];
	s2 =	simm.s32 $0x0;
	s0 =	srdreg.scid  }
0x2: {  	s10 =	stileid.u32;
	s12 =	simm.s32 $0x10000;
	s13 =	simm.s32 $0x1  }
0x3: {  	s14 =	simm.s32 $0x12000;
	s15 =	simm.s32 $0x14000;
	s16 =	simm.s32 $0x16000  }
0x4: {  	s18 =	simm.s32 $0x18080;
	s19 =	simm.s32 $0x0;
	[smem:$0x7FF] =	sst s2  }
0x5: {  	s4 =	sadd.s32 $0x800, s1;
	s5 =	sadd.s32 $0x400, s1;
	s0 =	sand.u32 $0x1, s0  }
0x6: {  	s6 =	sadd.s32 $0x4B9000, s1;
	s17 =	sand.u32 $0x7, s10;
	_ =	strace $0x8000004D  }
.Ltmp0:
0x7: {  	s3 =	ssub.s32 $0x2, s0;
	s7 =	sshll.u32 s0, $0x4;
	(pc) =	sbr.rel .LBB2_1-.Ltmp0, $4  }
0x8: {  	p0 =	seq.s32 s0, $0x0;
	s0 =	simm.s32 $0x4B9400;
	v1 =	vmov s17;
	s17 =	simm.s32 $0x16080  }
0x9: {  	s8 =	sshrl.u32 s3, $0x1;
	s9 =	sor.u32 s10, s7;
	s7 =	sadd.s32 $0xF50000, s1  }
0xa: {  	v0 =	vlaneseq.u32;
	s0 =	simm.s32 @!p0 $0x4B9800;
	s3 =	ssub.s32 s3, s8;
	s8 =	smul.u32 $0x25C2000, s9  }
0xb: {  	v2 =	vimm.s32 $0x0;
	v3 =	vor.u32 $0x80000, v0;
	s9 =	sshrl.u32 s10, $0x3;
	s11 =	sadd.s32 s0, s1;
	s10 =	smax.u32 s3, $0x1  }
.LBB2_16:
0xc: {  	s19 =	sadd.s32 $0x1, s19  }
0xd: {  	p1 =	sne.s32 s19, s10  }
.Ltmp1:
0xe: {  	_ = 	snop;
	(pc) =	sbr.rel @!p1 .LBB2_17-.Ltmp1, $1  }
0xf: {  	_ =	sdelay $0x3  }
.LBB2_1:
0x10: {  	[tilespmem:s12], [sflag:$0x1] =	stream.linear.gather [hbm4b:s1+s2], $0x2000, $0x38;
	[tilespmem:$0x1A080] =	vst v63  }
0x11: {  	_ =	swait.ge [sflag:s13], $0x2000  }
0x12: {  	[sflag:s13] =	ssyncset.done $0x0  }
0x13: {  	[sflag:s13] =	ssyncadd.s32 $0xFFFFE000  }
0x14: {  	[tilespmem:s14], [sflag:$0x1] =	stream.linear.gather [hbm4b:s5+s2], $0x2000, $0x38;
	[tilespmem:$0x1A080] =	vst v63  }
0x15: {  	_ =	swait.ge [sflag:s13], $0x2000  }
0x16: {  	[sflag:s13] =	ssyncset.done $0x0  }
0x17: {  	[sflag:s13] =	ssyncadd.s32 $0xFFFFE000  }
0x18: {  	[tilespmem:s15], [sflag:$0x1] =	stream.linear.gather [hbm4b:s11+s2], $0x2000, $0x38;
	[tilespmem:$0x1A080] =	vst v63  }
0x19: {  	_ =	swait.ge [sflag:s13], $0x2000  }
0x1a: {  	[sflag:s13] =	ssyncset.done $0x0  }
0x1b: {  	[sflag:s13] =	ssyncadd.s32 $0xFFFFE000  }
0x1c: {  	[tilespmem:s16], [sflag:$0x1] =	stream.linear.gather [hbm4b:s6+s2], $0x80, $0x38;
	[tilespmem:$0x1A080] =	vst v63  }
0x1d: {  	_ =	swait.ge [sflag:s13], $0x80  }
0x1e: {  	[sflag:s13] =	ssyncset.done $0x0  }
0x1f: {  	[sflag:s13] =	ssyncadd.s32 $0xFFFFFF80  }
0x20: {  	s0 =	simm.s32 $0x40;
	s3 =	simm.s32 $0x0;
	v4 =	vld [tilespmem:$0x16000]  }
.LBB2_2:
0x21: {  	p1 =	seq.s32 s0, $0x3FFC0;
	[tilespmem:s3+$0x0] =	vst v2;
	s3 =	smov.u32 s0;
	s0 =	sadd.s32 $0x40, s0  }
.Ltmp2:
0x22: {  	(pc) =	sbr.rel @!p1 .LBB2_2-.Ltmp2, $2  }
0x23: {  	_ =	sdelay $0x2  }
0x24: {  	s3 =	sshra.s32 s3, $0x2  }
0x25: {  	(v2sf) =	vpush v4, $0x0  }
0x26: {  	(v2sf) =	vpush v4, $0x1;
	_ =	sdelay $0xd  }
0x27: {  	s0 =	spop (v2sf)  }
0x28: {  	s20 =	spop (v2sf)  }
0x29: {  	s20 =	smov.u32 @p0 s0  }
0x2a: {  	p1 =	sgt.s32 s20, $0x0  }
.Ltmp3:
0x2b: {  	_ = 	snop;
	(pc) =	sbr.rel @!p1 .LBB2_16-.Ltmp3, $2  }
0x2c: {  	_ =	sdelay $0x2  }
0x2d: {  	[tilespmem:s3+$0x0] =	vst v2;
	s21 =	simm.s32 $0x0  }
.LBB2_4:
0x2e: {  	v4 =	vmov s21;
	_ =	sdelay $0x4  }
0x2f: {  	v4 =	vld.idx.msk [tilespmem:v4+s15+$0x0], $0xffff;
	_ =	sdelay $0x4  }
0x30: {  	v5 =	vbroadcast v4, $0x0;
	_ =	sdelay $0x5  }
0x31: {  	v6 =	vld.idx.msk [tilespmem:v5+s12+$0x0], $0xffff  }
0x32: {  	v5 =	vld.idx.msk [tilespmem:v5+s14+$0x0], $0xffff;
	_ =	sdelay $0x2  }
0x33: {  	(v2sf) =	vpush v4, $0x0  }
0x34: {  	(v2sf) =	vpush v6, $0x0  }
0x35: {  	(v2sf) =	vpush v5, $0x0;
	_ =	sdelay $0xc  }
0x36: {  	s22 =	spop (v2sf)  }
0x37: {  	s0 =	spop (v2sf)  }
0x38: {  	s22 =	sshrl.u32 s22, $0x1;
	s3 =	spop (v2sf)  }
0x39: {  	s22 =	sand.u32 $0x1, s22;
	s23 =	sadd.s32 $0x1FFF, s3  }
0x3a: {  	p1 =	sne.s32 s22, s9;
	s23 =	sshrl.u32 s23, $0xD  }
0x3b: {  	p2 =	seq.s32 @!p1 s23, $0x0  }
0x3c: {  	p1 =	por p1, p2  }
.Ltmp4:
0x3d: {  	_ = 	snop;
	(pc) =	sbr.rel @p1 .LBB2_13-.Ltmp4, $1  }
0x3e: {  	_ =	sdelay $0x3  }
0x3f: {  	s3 =	sadd.s32 s0, s3  }
0x40: {  	s24 =	simm.s32 $0x0;
	s25 =	smov.u32 s0;
	s26 =	simm.s32 $0x0;
	v4 =	vmov s3  }
.LBB2_6:
0x41: {  	s3 =	sshll.u32 s26, $0xD  }
0x42: {  	s3 =	sadd.s32 s0, s3  }
0x43: {  	s3 =	sshrl.u32 s3, $0x3  }
0x44: {  	s3 =	sadd.s32 s4, s3  }
0x45: {  	[tilespmem:s17], [sflag:$0x1] =	stream.linear.gather [hbm4b:s3+s24], $0x2000, $0x38;
	[tilespmem:$0x1A080] =	vst v63  }
0x46: {  	_ =	swait.ge [sflag:s13], $0x2000  }
0x47: {  	[sflag:s13] =	ssyncset.done $0x0  }
0x48: {  	s31 =	simm.s32 $0x0;
	[sflag:s13] =	ssyncadd.s32 $0xFFFFE000  }
0x49: {  	v5 =	vld [tilespmem:s31+$0x16080];
	_ =	sdelay $0x4  }
0x4a: {  	v6 =	vadd.s32 s25, v0;
	v7 =	vand.u32 $0x7, v5  }
0x4b: {  	vm0 =	vlt.s32 v6, v4;
	vm1 =	veq.s32 v7, v1  }
0x4c: {  	v6 =	vand.u32 $0x7FFFF, v5;
	vm0 =	vmand vm0, vm1  }
0x4d: {  	v6 =	vsel vm0, v6, v3  }
0x4e: {  	(xrf1) =	vunique.msk.u32 $0xffff, v6;
	_ =	sdelay $0xd  }
0x4f: {  	_, v6, vm15 =	vpop (xrf1)  }
0x50: {  	v5 =	vshrl.u32 v5, $0x3;
	vm0 =	vmand vm0, vm15  }
0x51: {  	v5 =	vand.u32 $0xFFFF, v5;
	_ =	sdelay $0x4  }
0x52: {  	s29 =	simm.s32 $0x80;
	s28 =	smov.u32 s25;
	s3 =	simm.s32 $0x10;
	[tilespmem:v5+s2+$0x0] =	vst.idx.add.s32.msk vm0, v6  }
.LBB2_7:
0x53: {  	p1 =	sne.s32 s29, $0x7FC0;
	v5 =	vld [tilespmem:s3+$0x16080];
	_ =	sdelay $0x3  }
0x54: {  	s28 =	sadd.s32 $0x10, s28  }
0x55: {  	v6 =	vadd.s32 s28, v0;
	v7 =	vand.u32 $0x7, v5  }
0x56: {  	vm0 =	vlt.s32 v6, v4;
	vm1 =	veq.s32 v7, v1  }
0x57: {  	v6 =	vand.u32 $0x7FFFF, v5;
	vm0 =	vmand vm0, vm1  }
0x58: {  	v6 =	vsel vm0, v6, v3  }
0x59: {  	(xrf1) =	vunique.msk.u32 $0xffff, v6;
	_ =	sdelay $0xd  }
0x5a: {  	_, v6, vm1 =	vpop (xrf1)  }
0x5b: {  	v5 =	vshrl.u32 v5, $0x3;
	vm0 =	vmand vm0, vm1  }
0x5c: {  	v5 =	vand.u32 $0xFFFF, v5  }
.Ltmp5:
0x5d: {  	(pc) =	sbr.rel @p1 .LBB2_7-.Ltmp5, $2  }
0x5e: {  	_ =	sdelay $0x2  }
0x5f: {  	s3 =	sshra.s32 s29, $0x2;
	s29 =	sadd.s32 $0x40, s29;
	[tilespmem:v5+s2+$0x0] =	vst.idx.add.s32.msk vm0, v6  }
0x60: {  	v5 =	vld [tilespmem:s3+$0x16080];
	_ =	sdelay $0x3  }
0x61: {  	s31 =	sadd.s32 $0x10, s28  }
0x62: {  	v6 =	vadd.s32 s31, v0;
	v7 =	vand.u32 $0x7, v5  }
0x63: {  	vm0 =	vlt.s32 v6, v4;
	vm1 =	veq.s32 v7, v1  }
0x64: {  	v6 =	vand.u32 $0x7FFFF, v5;
	vm0 =	vmand vm0, vm1  }
0x65: {  	v6 =	vsel vm0, v6, v3  }
0x66: {  	(xrf1) =	vunique.msk.u32 $0xffff, v6;
	_ =	sdelay $0xd  }
0x67: {  	_, v6, vm15 =	vpop (xrf1)  }
0x68: {  	s26 =	sadd.s32 $0x1, s26;
	v5 =	vshrl.u32 v5, $0x3;
	vm0 =	vmand vm0, vm15  }
0x69: {  	p1 =	sne.s32 s26, s23;
	v5 =	vand.u32 $0xFFFF, v5  }
.Ltmp6:
0x6a: {  	_ = 	snop;
	(pc) =	sbr.rel @p1 .LBB2_6-.Ltmp6, $2  }
0x6b: {  	_ =	sdelay $0x2  }
0x6c: {  	s25 =	sadd.s32 $0x2000, s25;
	s28 =	simm.s32 $0x0;
	[tilespmem:v5+s2+$0x0] =	vst.idx.add.s32.msk vm0, v6  }
0x6d: {  	s22 =	smov.u32 s0;
	s25 =	simm.s32 $0x0  }
.LBB2_10:
0x6e: {  	s3 =	sshll.u32 s25, $0xD  }
0x6f: {  	s26 =	sadd.s32 s0, s3  }
0x70: {  	s3 =	sshrl.u32 s26, $0x3  }
0x71: {  	s3 =	sadd.s32 s4, s3  }
0x72: {  	[tilespmem:s17], [sflag:$0x1] =	stream.linear.gather [hbm4b:s3+s28], $0x2000, $0x38;
	[tilespmem:$0x1A080] =	vst v63  }
0x73: {  	_ =	swait.ge [sflag:s13], $0x2000  }
0x74: {  	[sflag:s13] =	ssyncset.done $0x0  }
0x75: {  	s30 =	simm.s32 $0x0;
	[sflag:s13] =	ssyncadd.s32 $0xFFFFE000  }
0x76: {  	v6 =	vld [tilespmem:s30+$0x16080];
	_ =	sdelay $0x4  }
0x77: {  	v7 =	vshrl.u32 v6, $0x3  }
0x78: {  	s29 =	simm.s32 $0x10;
	v7 =	vand.u32 $0xFFFF, v7  }
0x79: {  	v5 =	vld [tilespmem:s29+$0x16080];
	_ =	sdelay $0x3  }
0x7a: {  	v7 =	vld.idx.msk [tilespmem:v7+s2+$0x0], $0xffff  }
0x7b: {  	v8 =	vshrl.u32 v5, $0x3  }
0x7c: {  	v9 =	vadd.s32 s22, v0;
	v10 =	vand.u32 $0x7, v6;
	v6 =	vand.u32 $0xFFFF, v8  }
0x7d: {  	s31 =	simm.s32 $0x20;
	s24 =	smov.u32 s22;
	vm0 =	vlt.s32 v9, v4;
	s3 =	simm.s32 $0xC0;
	vm1 =	veq.s32 v10, v1  }
.LBB2_11:
0x7e: {  	p1 =	sne.s32 s3, $0x7FC0;
	v8 =	vld [tilespmem:s31+$0x16080];
	vm0 =	vmand vm0, vm1  }
0x7f: {  	v7 =	vnsel vm0, $0x0, v7  }
0x80: {  	[tilespmem:s30+$0x18080] =	vst v7;
	s30 =	smov.u32 s29;
	s29 =	smov.u32 s31  }
.Ltmp7:
0x81: {  	v7 =	vld.idx.msk [tilespmem:v6+s2+$0x0], $0xffff;
	(pc) =	sbr.rel @p1 .LBB2_11-.Ltmp7, $4  }
0x82: {  	_ = 	snop  }
0x83: {  	s24 =	sadd.s32 $0x10, s24;
	v6 =	vshrl.u32 v8, $0x3  }
0x84: {  	v10 =	vand.u32 $0x7, v5;
	v9 =	vadd.s32 s24, v0;
	v5 =	vmovc v8;
	v6 =	vand.u32 $0xFFFF, v6  }
0x85: {  	vm1 =	veq.s32 v10, v1;
	s31 =	sshra.s32 s3, $0x2;
	s3 =	sadd.s32 $0x40, s3;
	vm0 =	vlt.s32 v9, v4  }
0x86: {  	v8 =	vld [tilespmem:s31+$0x16080]  }
0x87: {  	vm0 =	vmand vm0, vm1  }
0x88: {  	v7 =	vnsel vm0, $0x0, v7  }
0x89: {  	[tilespmem:s30+$0x18080] =	vst v7  }
0x8a: {  	v6 =	vld.idx.msk [tilespmem:v6+s2+$0x0], $0xffff  }
0x8b: {  	s3 =	sadd.s32 $0x10, s24;
	v7 =	vshrl.u32 v8, $0x3  }
0x8c: {  	v5 =	vand.u32 $0x7, v5;
	v9 =	vadd.s32 s3, v0;
	v7 =	vand.u32 $0xFFFF, v7  }
0x8d: {  	vm13 =	veq.s32 v5, v1;
	vm12 =	vlt.s32 v9, v4  }
0x8e: {  	vm0 =	vmand vm12, vm13  }
0x8f: {  	v5 =	vnsel vm0, $0x0, v6  }
0x90: {  	[tilespmem:s29+$0x18080] =	vst v5  }
0x91: {  	v5 =	vld.idx.msk [tilespmem:v7+s2+$0x0], $0xffff  }
0x92: {  	s3 =	sadd.s32 $0x10, s3  }
0x93: {  	v6 =	vadd.s32 s3, v0;
	v7 =	vand.u32 $0x7, v8  }
0x94: {  	vm14 =	vlt.s32 v6, v4;
	vm15 =	veq.s32 v7, v1  }
0x95: {  	s25 =	sadd.s32 $0x1, s25;
	s30 =	sadd.s32 s8, s26;
	vm0 =	vmand vm14, vm15  }
0x96: {  	p1 =	sne.s32 s25, s23;
	s3 =	sshrl.u32 s30, $0x3;
	v5 =	vnsel vm0, $0x0, v5  }
.Ltmp8:
0x97: {  	s3 =	sadd.s32 s7, s3;
	[tilespmem:s31+$0x18080] =	vst v5;
	(pc) =	sbr.rel @p1 .LBB2_10-.Ltmp8, $4  }
0x98: {  	[hbm4b:s3+s2] =	stream.linear.scatter [tilespmem:s18], [sflag:$0x1], $0x2000, $0x38;
	[tilespmem:$0x1A080] =	vst v63  }
0x99: {  	_ =	swait.ge [sflag:s13], $0x2000  }
0x9a: {  	[sflag:s13] =	ssyncset.done $0x0  }
0x9b: {  	s22 =	sadd.s32 $0x2000, s22;
	[sflag:s13] =	ssyncadd.s32 $0xFFFFE000  }
.LBB2_13:
0x9c: {  	s0 =	simm.s32 $0x40;
	s3 =	simm.s32 $0x0  }
.LBB2_14:
0x9d: {  	p1 =	sne.s32 s0, $0x3FFC0;
	[tilespmem:s3+$0x0] =	vst v2;
	s3 =	smov.u32 s0;
	s0 =	sadd.s32 $0x40, s0  }
.Ltmp9:
0x9e: {  	(pc) =	sbr.rel @p1 .LBB2_14-.Ltmp9, $2  }
0x9f: {  	_ =	sdelay $0x2  }
0xa0: {  	s3 =	sshra.s32 s3, $0x2  }
0xa1: {  	s21 =	sadd.s32 $0x1, s21  }
0xa2: {  	p1 =	sne.s32 s21, s20  }
.Ltmp10:
0xa3: {  	_ = 	snop;
	(pc) =	sbr.rel @p1 .LBB2_4-.Ltmp10, $4  }
.Ltmp11:
0xa4: {  	_ = 	snop;
	(pc) =	sbr.rel @!p1 .LBB2_16-.Ltmp11, $4  }
0xa5: {  	_ = 	snop  }
0xa6: {  	_ = 	snop  }
0xa7: {  	[tilespmem:s3+$0x0] =	vst v2  }
0xa8: {  	_ = 	snop  }
.LBB2_17:
0xa9: {  	_ =	sfence.sel $0x180000  }
0xaa: {  	[bflag:$0x0] =	sbarrier.arrive $0xFFFF  }
0xab: {  	_ =	strace $0x9000004D  }
0xac: {  	s0 =	stileid.u32;
	[bflag:$0x2] =	sbarrier.arrive $0xFFFF  }
0xad: {  	p0 =	sne.s32 s0, $0x0;
	s0 =	rddreg [dreg:$0x1]  }
0xae: {  	s0 =	sadd.s32 @!p0 $0x100000, s0  }
0xaf: {  	[sflag:s0] =	ssyncadd.tile.s32 @!p0 $0x1;
	_ =	shalt  }
.Lfunc_end2:
_tile_overlayer_lowered:
.L_overlay_start_2:
0xb0: {  	(tag) =	ssettag $0x2  }
0xb1: {  	s0 =	rddreg [dreg:$0x0];
	s2 =	stileid.u32  }
0xb2: {  	s1 =	rddreg [dreg:$0x1];
	p0 =	sne.s32 s2, $0x0  }
0xb3: {  	s3 =	rddreg [dreg:$0x2];
	[bflag:$0x3] =	sbarrier.arrive $0xFFFF;
	s2 =	simm.s32 @!p0 $0x1C01  }
0xb4: {  	[timem:s3], [sflag:s2] =	dma.local @!p0 [hbm:s0], s1  }
0xb5: {  	s0 =	simm.s32 @!p0 $0x1  }
0xb6: {  	_ =	swait.ge @!p0 [sflag:s0], s1  }
0xb7: {  	s1 =	ssub.s32 @!p0 $0x0, s1;
	[sflag:s0] =	ssyncset.done @!p0 $0x0  }
0xb8: {  	[sflag:s0] =	ssyncadd.s32 @!p0 s1  }
0xb9: {  	[bflag:$0x3] =	sbarrier.arrive $0xFFFF  }
0xba: {  	_ =	shalt  }

// kernel: kernel.17.cloned.1.call-start
scs
__scs_entry_jumppad:
0x0: {  	(pc) =	sbr.rel $0x88, $3  }
0x1: {  	(tag) =	ssettag $0x0;
	lr =	simm.s32 $0x1  }
0x2: {  	[smem:$0x3FA0] =	sst lr;
	_ =	strace $0xD0000000  }
0x3: {  	_ = 	snop  }
0x4: {  	_ = 	snop  }
0x5: {  	_ = 	snop  }
0x6: {  	_ = 	snop  }
0x7: {  	_ = 	snop  }
__scs_overlays_trampoline_lowered:
0x8: {  	[smem:$0x3FAF] =	sst s0  }
0x9: {  	[smem:$0x3FB0] =	sst s1  }
0xa: {  	[smem:$0x3FB1] =	sst s2  }
0xb: {  	[smem:$0x3FB2] =	sst s3  }
0xc: {  	[smem:$0x3FB3] =	sst s4  }
0xd: {  	[smem:$0x3FB4] =	sst s5  }
0xe: {  	[smem:$0x3FB5] =	sst s6  }
0xf: {  	[smem:$0x3FB6] =	sst s7  }
0x10: {  	[smem:$0x3FB7] =	sst s8  }
0x11: {  	[smem:$0x3FB8] =	sst s9;
	s0 =	simm.s32 @!p0 $0x0  }
0x12: {  	s1 =	sld [smem:$0x3F9E];
	s0 =	simm.s32 @p0 $0x1  }
0x13: {  	[smem:$0x3FB9] =	sst s0;
	s0 =	simm.s32 @!p1 $0x0  }
0x14: {  	s2 =	sld [smem:$0x3F9D];
	s0 =	simm.s32 @p1 $0x1  }
0x15: {  	[smem:$0x3FBA] =	sst s0;
	s0 =	simm.s32 @!p2 $0x0  }
0x16: {  	s3 =	sld [smem:$0x3FDB];
	s0 =	simm.s32 @p2 $0x1  }
0x17: {  	s4 =	simm.s32 $0x1BF5;
	[smem:$0x3FBC] =	sst s0  }
0x18: {  	s0 =	sld [smem:$0x3F9F];
	_ =	swait.ge [sflag:s4], $0x0  }
0x19: {  	s7 =	sld [smem:$0x3FA0]  }
0x1a: {  	s8 =	sadd.s32 $0xFFFFE003, lr  }
0x1b: {  	s9 =	sadd.s32 $0xFFFFFEF7, lr;
	s5 =	simm.s32 $0xFFFFFFFF;
	p2 =	slt.u32 s8, $0xFFFFF086  }
0x1c: {  	p1 =	slt.u32 s9, $0xF7A;
	s5 =	simm.s32 @!p2 $0x0  }
0x1d: {  	s5 =	simm.s32 @p1 $0x1;
	p0 =	seq.s32 s7, s2  }
0x1e: {  	s7 =	smul.u32 @!p0 $0xF7A, s2;
	p2 =	seq.s32 @!p0 s5, $0x0  }
0x1f: {  	s9 =	smul.u32 $0xF7A, s1;
	s8 =	simm.s32 @!p0 $0x1BF5;
	p2 =	por !p2, p0  }
0x20: {  	[sflag:s8] =	ssyncset.s32 @!p0 $0xFFFFF086;
	s6 =	sadd.s32 @!p0 s3, s7;
	s7 =	simm.s32 @!p0 $0x108  }
0x21: {  	s3 =	sadd.s32 s3, s9;
	s6 =	sadd.s32 @!p0 $0x88, s6;
	s7 =	simm.s32 @p2 $0x1082  }
0x22: {  	[simem:s7], [sflag:s8] =	dma.local @!p0 [hbm:s6], $0xF7A  }
0x23: {  	s9 =	sor.u32 $0xD0000000, s2;
	s6 =	simm.s32 $0x108;
	_ =	swait.ge @!p0 [sflag:s8], $0x0  }
0x24: {  	s3 =	sadd.s32 $0x88, s3;
	s6 =	simm.s32 @!p1 $0x1082;
	[sflag:s4] =	ssyncset.s32 $0xFFFFF086  }
0x25: {  	[simem:s6], [sflag:s4] =	dma.local [hbm:s3], $0xF7A  }
0x26: {  	[smem:$0x3FA0] =	sst s1;
	(tag) =	ssettag s2;
	_ =	strace s9  }
0x27: {  	s1 =	sld [smem:$0x3FB0]  }
0x28: {  	s2 =	sld [smem:$0x3FB1]  }
0x29: {  	s4 =	sld [smem:$0x3FB3]  }
0x2a: {  	p0 =	seq.s32 s5, $0x0;
	s5 =	sld [smem:$0x3FB4]  }
0x2b: {  	s6 =	sld [smem:$0x3FB5]  }
0x2c: {  	s7 =	sld [smem:$0x3FB6]  }
0x2d: {  	s3 =	simm.s32 $0x108;
	s8 =	sld [smem:$0x3FB7]  }
0x2e: {  	s3 =	simm.s32 @!p0 $0x1082;
	s9 =	sld [smem:$0x3FB8]  }
0x2f: {  	lr =	sadd.s32 s0, s3;
	s0 =	sld [smem:$0x3FAF]  }
0x30: {  	s3 =	sld [smem:$0x3FB2]  }
0x31: {  	[smem:$0x3FBB] =	sst s10  }
0x32: {  	s10 =	sld [smem:$0x3FB9];
	_ =	sdelay $0x3  }
0x33: {  	p0 =	seq.s32 s10, $0x1;
	s10 =	sld [smem:$0x3FBB];
	_ =	sdelay $0x3  }
0x34: {  	[smem:$0x3FBB] =	sst s10  }
0x35: {  	s10 =	sld [smem:$0x3FBA];
	_ =	sdelay $0x3  }
0x36: {  	p1 =	seq.s32 s10, $0x1;
	s10 =	sld [smem:$0x3FBB];
	_ =	sdelay $0x3  }
0x37: {  	[smem:$0x3FBB] =	sst s10  }
0x38: {  	s10 =	sld [smem:$0x3FBC]  }
0x39: {  	_ = 	snop;
	(pc) =	sbr.ind lr, $3  }
0x3a: {  	_ = 	snop  }
0x3b: {  	_ = 	snop  }
0x3c: {  	p2 =	seq.s32 s10, $0x1;
	s10 =	sld [smem:$0x3FBB]  }
0x3d: {  	_ =	shalt  }
0x3e: {  	_ =	shalt  }
0x3f: {  	_ =	shalt  }
0x40: {  	_ =	shalt  }
0x41: {  	_ =	shalt  }
0x42: {  	_ =	shalt  }
0x43: {  	_ =	shalt  }
0x44: {  	_ =	shalt  }
0x45: {  	_ =	shalt  }
0x46: {  	_ =	shalt  }
0x47: {  	_ =	shalt  }
0x48: {  	_ =	shalt  }
0x49: {  	_ =	shalt  }
0x4a: {  	_ =	shalt  }
0x4b: {  	_ =	shalt  }
0x4c: {  	_ =	shalt  }
0x4d: {  	_ =	shalt  }
0x4e: {  	_ =	shalt  }
0x4f: {  	_ =	shalt  }
0x50: {  	_ =	shalt  }
0x51: {  	_ =	shalt  }
0x52: {  	_ =	shalt  }
0x53: {  	_ =	shalt  }
0x54: {  	_ =	shalt  }
0x55: {  	_ =	shalt  }
0x56: {  	_ =	shalt  }
0x57: {  	_ =	shalt  }
0x58: {  	_ =	shalt  }
0x59: {  	_ =	shalt  }
0x5a: {  	_ =	shalt  }
0x5b: {  	_ =	shalt  }
0x5c: {  	_ =	shalt  }
0x5d: {  	_ =	shalt  }
0x5e: {  	_ =	shalt  }
0x5f: {  	_ =	shalt  }
0x60: {  	_ =	shalt  }
0x61: {  	_ =	shalt  }
0x62: {  	_ =	shalt  }
0x63: {  	_ =	shalt  }
0x64: {  	_ =	shalt  }
0x65: {  	_ =	shalt  }
0x66: {  	_ =	shalt  }
0x67: {  	_ =	shalt  }
0x68: {  	_ =	shalt  }
0x69: {  	_ =	shalt  }
0x6a: {  	_ =	shalt  }
0x6b: {  	_ =	shalt  }
0x6c: {  	_ =	shalt  }
0x6d: {  	_ =	shalt  }
0x6e: {  	_ =	shalt  }
0x6f: {  	_ =	shalt  }
0x70: {  	_ =	shalt  }
0x71: {  	_ =	shalt  }
0x72: {  	_ =	shalt  }
0x73: {  	_ =	shalt  }
0x74: {  	_ =	shalt  }
0x75: {  	_ =	shalt  }
0x76: {  	_ =	shalt  }
0x77: {  	_ =	shalt  }
0x78: {  	_ =	shalt  }
0x79: {  	_ =	shalt  }
0x7a: {  	_ =	shalt  }
0x7b: {  	_ =	shalt  }
0x7c: {  	_ =	shalt  }
0x7d: {  	_ =	shalt  }
0x7e: {  	_ =	shalt  }
0x7f: {  	_ =	shalt  }
0x80: {  	_ =	shalt  }
0x81: {  	_ =	shalt  }
0x82: {  	_ =	shalt  }
0x83: {  	_ =	shalt  }
0x84: {  	_ =	shalt  }
0x85: {  	_ =	shalt  }
0x86: {  	_ =	shalt  }
0x87: {  	_ =	shalt  }
.Lfunc_end0:
.L_simem_size_0:
called_computation.3_lowered:
.L_overlay_start_0:
0x88: {  	s2 =	sld [smem:$0x3FD9]  }
0x89: {  	s3 =	sld [smem:$0x3FFE];
	_ =	sdelay $0x1  }
0x8a: {  	s1 =	srdreg.scid  }
0x8b: {  	s0 =	sand.u32 $0x1, s1  }
0x8c: {  	s16 =	sshll.u32 s0, $0xA;
	s2 =	sadd.s32 s3, s2  }
0x8d: {  	s2 =	sadd.s32 s2, s16  }
0x8e: {  	[smem:$0x3FC7] =	sst s2  }
0x8f: {  	_ = 	snop  }
0x90: {  	(tm) =	ssettm $0x1  }
0x91: {  	s17 =	sld [smem:$0x3FFB];
	_ =	sdelay $0x3  }
0x92: {  	_ =	strace s17  }
0x93: {  	s2 =	sld [smem:$0x3FFC];
	_ =	sdelay $0x3  }
0x94: {  	_ =	strace s2  }
0x95: {  	s2 =	sld [smem:$0x3FFD];
	_ =	sdelay $0x3  }
0x96: {  	_ =	strace s2  }
0x97: {  	_ =	strace $0x8FFFFFFF  }
0x98: {  	s18 =	sld [smem:$0x3FDB];
	_ =	sdelay $0x1  }
0x99: {  	s19 =	simm.s32 $_scs_section_size  }
0x9a: {  	s4 =	simm.s32 $_size__tile_overlayer_lowered;
	s5 =	simm.s32 $_tile_overlayer_lowered  }
0x9b: {  	s22 =	simm.s32 $0x1BFF;
	s21 =	sshll.u32 s5, $0x1;
	s2 =	sadd.s32 s19, s18  }
0x9c: {  	s6 =	simm.s32 $0x0;
	s20 =	sshll.u32 s4, $0x1;
	s4 =	sadd.s32 s21, s2  }
0x9d: {  	[timem:s6], [sflag:s22] =	dma.local [hbm:s4], s20  }
0x9e: {  	_ =	swait.ge [sflag:s22], s20  }
0x9f: {  	s3 =	ssub.s32 $0x0, s20;
	[sflag:s22] =	ssyncset.done $0x0  }
0xa0: {  	[sflag:s22] =	ssyncadd.s32 s3;
	_ =	sdelay $0x1  }
0xa1: {  	s23 =	simm.s32 $0x1B8B  }
0xa2: {  	_ =	swait.ge [sflag:s23], $0x1  }
0xa3: {  	[sflag:s23] =	ssyncset.done $0x0  }
0xa4: {  	s25 =	simm.s32 $0x1B8E;
	s24 =	sld [smem:$0x3FFE];
	[sflag:s23] =	ssyncadd.s32 $0xFFFFFFFF  }
0xa5: {  	s26 =	simm.s32 $execute0_lowered;
	[smem:$0x3FD2] =	sst s25  }
0xa6: {  	s4 =	sshll.u32 s26, $0x1;
	_ =	strace $0x8000004F;
	[dreg:$0x1] =	wrdreg $0xFFFFFFFF  }
0xa7: {  	s28 =	simm.s32 $_size_execute0_lowered;
	s2 =	sadd.s32 s2, s4;
	[dreg:$0x0] =	wrdreg $0x0  }
0xa8: {  	s4 =	sshll.u32 s28, $0x1;
	[dreg:$0x2] =	wrdreg s2  }
0xa9: {  	[dreg:$0x3] =	wrdreg s4  }
0xaa: {  	[dreg:$0x4] =	wrdreg $0xC0  }
0xab: {  	_ =	task [dreg:s6], $0x5FFFF  }
0xac: {  	[dreg:$0x1] =	wrdreg $0xFFFFFFFF  }
0xad: {  	[dreg:$0x0] =	wrdreg $0x60  }
0xae: {  	[dreg:$0x2] =	wrdreg s24  }
0xaf: {  	[dreg:$0x3] =	wrdreg $0x9  }
0xb0: {  	_ =	task.clear_ibuf [dreg:s6], $0x4FFFF;
	_ =	strace $0x9000004F  }
0xb1: {  	s29 =	simm.s32 $0x9;
	_ =	strace $0x80000051  }
0xb2: {  	_ =	swait.ge [sflag:s29], $0x1  }
0xb3: {  	[sflag:s29] =	ssyncadd.s32 $0xFFFFFFFF  }
0xb4: {  	_ =	strace $0x90000051  }
0xb5: {  	_ =	sfence  }
0xb6: {  	s30 =	sld [smem:$0x0];
	_ =	sdelay $0x2  }
0xb7: {  	s31 =	sshll.u32 s1, $0xD;
	s1 =	sshrl.u32 s1, $0x2  }
0xb8: {  	s3 =	sand.u32 $0x4000, s31;
	s1 =	sadd.s32 s1, s30  }
0xb9: {  	s0 =	sor.u32 s3, s0;
	s1 =	sshll.u32 s1, $0x11  }
0xba: {  	s0 =	sor.u32 s1, s0  }
0xbb: {  	s0 =	sadd.s32 $0x8F2B, s0  }
0xbc: {  	[sflag:s0] =	ssyncadd.remote.s32 $0x1  }
0xbd: {  	_ =	sfence.sel $0xFFFF  }
0xbe: {  	[dreg:$0x0] =	wrdreg $0xFFFFFFFF;
	(pc) =	sbr.abs _section_cstart, $3  }
0xbf: {  	[dreg:$0x1] =	wrdreg $0xFFFFFFFF  }
0xc0: {  	_ =	task.clear_ibuf [dreg:s6], $0x2FFFF;
	_ =	strace $0x9FFFFFFF  }
0xc1: {  	(tm) =	ssettm $0x7FFFFFFF  }
tec
execute0_lowered:
.L_overlay_start_1:
0x0: {  	(tag) =	ssettag $0x1  }
0x1: {  	s1 =	rddreg [dreg:$0x0]  }
0x2: {  	s0 =	rddreg [dreg:$0x1];
	s2 =	simm.s32 $0x0  }
0x3: {  	s3 =	srdreg.scid;
	s10 =	simm.s32 $0x800;
	s11 =	simm.s32 $0x1000  }
0x4: {  	s12 =	simm.s32 $0x1800;
	s13 =	simm.s32 $0x1;
	s14 =	simm.s32 $0x0  }
0x5: {  	[smem:$0x7FF] =	sst s2;
	s5 =	sand.u32 $0x1, s3;
	s4 =	sadd.s32 $0x620000, s1  }
0x6: {  	s3 =	stileid.u32;
	_ =	strace $0x80000050;
	s6 =	ssub.s32 $0x2, s5  }
0x7: {  	s8 =	sshll.u32 s5, $0x4;
	s5 =	sadd.s32 $0xAB8000, s1;
	s7 =	sshrl.u32 s6, $0x1  }
0x8: {  	s31 =	sor.u32 s3, s8;
	s9 =	ssub.s32 s6, s7;
	s6 =	sadd.s32 $0xF50000, s1  }
0x9: {  	s7 =	smul.u32 $0x126000, s31;
	s8 =	smax.u32 s9, $0x1;
	s9 =	simm.s32 $0x2  }
.LBB2_1:
0xa: {  	s15 =	simm.s32 $0x0  }
.LBB2_2:
0xb: {  	s16 =	sshll.u32 s15, $0xB  }
0xc: {  	s16 =	sadd.s32 s7, s16  }
0xd: {  	s16 =	sshrl.u32 s16, $0x3  }
0xe: {  	s18 =	simm.s32 $0x0;
	s17 =	sadd.s32 s4, s16  }
0xf: {  	[tilespmem:s18], [sflag:$0x2] =	stream.linear.gather [hbm4b:s17+s18], $0x800, $0x38;
	[tilespmem:$0x2000] =	vst v63  }
0x10: {  	_ =	swait.ge [sflag:s9], $0x800  }
0x11: {  	[sflag:s9] =	ssyncset.done $0x0  }
0x12: {  	s31 =	sadd.s32 s5, s16;
	[sflag:s9] =	ssyncadd.s32 $0xFFFFF800  }
0x13: {  	[tilespmem:s10], [sflag:$0x2] =	stream.linear.gather [hbm4b:s31+s18], $0x800, $0x38;
	[tilespmem:$0x2000] =	vst v63  }
0x14: {  	_ =	swait.ge [sflag:s9], $0x800  }
0x15: {  	[sflag:s9] =	ssyncset.done $0x0  }
0x16: {  	s17 =	simm.s32 $0x0;
	[sflag:s9] =	ssyncadd.s32 $0xFFFFF800  }
0x17: {  	v0 =	vld [tilespmem:s17+$0x0];
	_ =	sdelay $0x4  }
0x18: {  	v0 =	vadd.f32 $0.0e+00, v0;
	_ =	sdelay $0x1  }
0x19: {  	s18 =	simm.s32 $0x10;
	v1 =	vshrl.u32 v0, $0xF  }
0x1a: {  	v3 =	vand.u32 $0x10, v1;
	v1 =	vld [tilespmem:s18+$0x0]  }
0x1b: {  	v2 =	vshrl.u32 v0, $0x11  }
0x1c: {  	v4 =	vand.u32 $0x7, v0;
	v0 =	vld [tilespmem:s17+$0x800];
	v2 =	vand.u32 $0x8, v2  }
0x1d: {  	v2 =	vor.u32 v2, v3  }
0x1e: {  	s19 =	simm.s32 $0x80;
	v2 =	vor.u32 v4, v2  }
.LBB2_3:
0x1f: {  	s20 =	sshra.s32 s19, $0x2;
	p0 =	sne.s32 s19, $0x1FC0;
	s19 =	sadd.s32 $0x40, s19;
	v3 =	vadd.f32 $0.0e+00, v1;
	v2 =	vmul.u32 $0x25C2000, v2  }
.Ltmp0:
0x20: {  	v1 =	vld [tilespmem:s20+$0x0];
	(pc) =	sbr.rel @p0 .LBB2_3-.Ltmp0, $4  }
0x21: {  	v4 =	vshrl.u32 v3, $0xF;
	v5 =	vshrl.u32 v3, $0x11;
	v2 =	vadd.s32 v0, v2  }
0x22: {  	v0 =	vld [tilespmem:s18+$0x800];
	v4 =	vand.u32 $0x10, v4;
	v5 =	vand.u32 $0x8, v5;
	[tilespmem:s17+$0x1000] =	vst v2;
	s17 =	smov.u32 s18;
	s18 =	smov.u32 s20  }
0x23: {  	v2 =	vand.u32 $0x7, v3;
	v3 =	vor.u32 v5, v4  }
0x24: {  	v2 =	vor.u32 v2, v3  }
0x25: {  	v1 =	vadd.f32 $0.0e+00, v1;
	_ =	sdelay $0x1  }
0x26: {  	v3 =	vshrl.u32 v1, $0xF;
	v4 =	vshrl.u32 v1, $0x11  }
0x27: {  	v5 =	vld [tilespmem:s18+$0x800];
	v3 =	vand.u32 $0x10, v3;
	v4 =	vand.u32 $0x8, v4  }
0x28: {  	v1 =	vand.u32 $0x7, v1;
	v3 =	vor.u32 v4, v3  }
0x29: {  	v2 =	vmul.u32 $0x25C2000, v2;
	v1 =	vor.u32 v1, v3  }
0x2a: {  	v1 =	vmul.u32 $0x25C2000, v1  }
0x2b: {  	v0 =	vadd.s32 v0, v2  }
0x2c: {  	[tilespmem:s17+$0x1000] =	vst v0;
	v63 =	vadd.s32 v5, v1  }
0x2d: {  	[tilespmem:s18+$0x1000] =	vst v63  }
0x2e: {  	[tilespmem:s12], [sflag:$0x1] =	stream.indirect.gather [hbm4b:s6+s10], $0x1, s11, s10, $0xb8;
	[tilespmem:$0x2000] =	vst v63  }
0x2f: {  	s15 =	sadd.s32 $0x1, s15;
	_ =	swait.ge [sflag:s13], $0x800  }
0x30: {  	p0 =	sne.s32 s15, $0x24C;
	[sflag:s13] =	ssyncset.done $0x0  }
.Ltmp1:
0x31: {  	s16 =	sadd.s32 s1, s16;
	[sflag:s13] =	ssyncadd.s32 $0xFFFFF800;
	(pc) =	sbr.rel @p0 .LBB2_2-.Ltmp1, $4  }
0x32: {  	[hbm4b:s16+s2] =	stream.linear.scatter [tilespmem:s12], [sflag:$0x2], $0x800, $0x38;
	[tilespmem:$0x2000] =	vst v63  }
0x33: {  	_ =	swait.ge [sflag:s9], $0x800  }
0x34: {  	[sflag:s9] =	ssyncset.done $0x0  }
0x35: {  	[sflag:s9] =	ssyncadd.s32 $0xFFFFF800  }
0x36: {  	s14 =	sadd.s32 $0x1, s14  }
0x37: {  	p0 =	sne.s32 s14, s8  }
.Ltmp2:
0x38: {  	_ = 	snop;
	(pc) =	sbr.rel @p0 .LBB2_1-.Ltmp2, $1  }
0x39: {  	_ =	sdelay $0x3  }
0x3a: {  	_ =	sfence.sel $0x180000  }
0x3b: {  	[bflag:$0x0] =	sbarrier.arrive $0xFFFF  }
0x3c: {  	p0 =	sne.s32 s3, $0x0;
	_ =	strace $0x90000050  }
0x3d: {  	s0 =	sadd.s32 @!p0 $0x100000, s0;
	[bflag:$0x2] =	sbarrier.arrive $0xFFFF  }
0x3e: {  	[sflag:s0] =	ssyncadd.tile.s32 @!p0 $0x1;
	_ =	shalt  }
.Lfunc_end2:
_tile_overlayer_lowered:
.L_overlay_start_2:
0x3f: {  	(tag) =	ssettag $0x2  }
0x40: {  	s0 =	rddreg [dreg:$0x0];
	s2 =	stileid.u32  }
0x41: {  	s1 =	rddreg [dreg:$0x1];
	p0 =	sne.s32 s2, $0x0  }
0x42: {  	s3 =	rddreg [dreg:$0x2];
	[bflag:$0x3] =	sbarrier.arrive $0xFFFF;
	s2 =	simm.s32 @!p0 $0x1C02  }
0x43: {  	[timem:s3], [sflag:s2] =	dma.local @!p0 [hbm:s0], s1  }
0x44: {  	s0 =	simm.s32 @!p0 $0x2  }
0x45: {  	_ =	swait.ge @!p0 [sflag:s0], s1  }
0x46: {  	s1 =	ssub.s32 @!p0 $0x0, s1;
	[sflag:s0] =	ssyncset.done @!p0 $0x0  }
0x47: {  	[sflag:s0] =	ssyncadd.s32 @!p0 s1  }
0x48: {  	[bflag:$0x3] =	sbarrier.arrive $0xFFFF  }
0x49: {  	_ =	shalt  }

// kernel: kernel.8.cloned.1.call-start
scs
__scs_entry_jumppad:
0x0: {  	(pc) =	sbr.rel $0x88, $3  }
0x1: {  	(tag) =	ssettag $0x0;
	lr =	simm.s32 $0x1  }
0x2: {  	[smem:$0x3FA0] =	sst lr;
	_ =	strace $0xD0000000  }
0x3: {  	_ = 	snop  }
0x4: {  	_ = 	snop  }
0x5: {  	_ = 	snop  }
0x6: {  	_ = 	snop  }
0x7: {  	_ = 	snop  }
__scs_overlays_trampoline_lowered:
0x8: {  	[smem:$0x3FAF] =	sst s0  }
0x9: {  	[smem:$0x3FB0] =	sst s1  }
0xa: {  	[smem:$0x3FB1] =	sst s2  }
0xb: {  	[smem:$0x3FB2] =	sst s3  }
0xc: {  	[smem:$0x3FB3] =	sst s4  }
0xd: {  	[smem:$0x3FB4] =	sst s5  }
0xe: {  	[smem:$0x3FB5] =	sst s6  }
0xf: {  	[smem:$0x3FB6] =	sst s7  }
0x10: {  	[smem:$0x3FB7] =	sst s8  }
0x11: {  	[smem:$0x3FB8] =	sst s9;
	s0 =	simm.s32 @!p0 $0x0  }
0x12: {  	s1 =	sld [smem:$0x3F9E];
	s0 =	simm.s32 @p0 $0x1  }
0x13: {  	[smem:$0x3FB9] =	sst s0;
	s0 =	simm.s32 @!p1 $0x0  }
0x14: {  	s2 =	sld [smem:$0x3F9D];
	s0 =	simm.s32 @p1 $0x1  }
0x15: {  	[smem:$0x3FBA] =	sst s0;
	s0 =	simm.s32 @!p2 $0x0  }
0x16: {  	s3 =	sld [smem:$0x3FDB];
	s0 =	simm.s32 @p2 $0x1  }
0x17: {  	s4 =	simm.s32 $0x1BF5;
	[smem:$0x3FBC] =	sst s0  }
0x18: {  	s0 =	sld [smem:$0x3F9F];
	_ =	swait.ge [sflag:s4], $0x0  }
0x19: {  	s7 =	sld [smem:$0x3FA0]  }
0x1a: {  	s8 =	sadd.s32 $0xFFFFE003, lr  }
0x1b: {  	s9 =	sadd.s32 $0xFFFFFEF7, lr;
	s5 =	simm.s32 $0xFFFFFFFF;
	p2 =	slt.u32 s8, $0xFFFFF086  }
0x1c: {  	p1 =	slt.u32 s9, $0xF7A;
	s5 =	simm.s32 @!p2 $0x0  }
0x1d: {  	s5 =	simm.s32 @p1 $0x1;
	p0 =	seq.s32 s7, s2  }
0x1e: {  	s7 =	smul.u32 @!p0 $0xF7A, s2;
	p2 =	seq.s32 @!p0 s5, $0x0  }
0x1f: {  	s9 =	smul.u32 $0xF7A, s1;
	s8 =	simm.s32 @!p0 $0x1BF5;
	p2 =	por !p2, p0  }
0x20: {  	[sflag:s8] =	ssyncset.s32 @!p0 $0xFFFFF086;
	s6 =	sadd.s32 @!p0 s3, s7;
	s7 =	simm.s32 @!p0 $0x108  }
0x21: {  	s3 =	sadd.s32 s3, s9;
	s6 =	sadd.s32 @!p0 $0x88, s6;
	s7 =	simm.s32 @p2 $0x1082  }
0x22: {  	[simem:s7], [sflag:s8] =	dma.local @!p0 [hbm:s6], $0xF7A  }
0x23: {  	s9 =	sor.u32 $0xD0000000, s2;
	s6 =	simm.s32 $0x108;
	_ =	swait.ge @!p0 [sflag:s8], $0x0  }
0x24: {  	s3 =	sadd.s32 $0x88, s3;
	s6 =	simm.s32 @!p1 $0x1082;
	[sflag:s4] =	ssyncset.s32 $0xFFFFF086  }
0x25: {  	[simem:s6], [sflag:s4] =	dma.local [hbm:s3], $0xF7A  }
0x26: {  	[smem:$0x3FA0] =	sst s1;
	(tag) =	ssettag s2;
	_ =	strace s9  }
0x27: {  	s1 =	sld [smem:$0x3FB0]  }
0x28: {  	s2 =	sld [smem:$0x3FB1]  }
0x29: {  	s4 =	sld [smem:$0x3FB3]  }
0x2a: {  	p0 =	seq.s32 s5, $0x0;
	s5 =	sld [smem:$0x3FB4]  }
0x2b: {  	s6 =	sld [smem:$0x3FB5]  }
0x2c: {  	s7 =	sld [smem:$0x3FB6]  }
0x2d: {  	s3 =	simm.s32 $0x108;
	s8 =	sld [smem:$0x3FB7]  }
0x2e: {  	s3 =	simm.s32 @!p0 $0x1082;
	s9 =	sld [smem:$0x3FB8]  }
0x2f: {  	lr =	sadd.s32 s0, s3;
	s0 =	sld [smem:$0x3FAF]  }
0x30: {  	s3 =	sld [smem:$0x3FB2]  }
0x31: {  	[smem:$0x3FBB] =	sst s10  }
0x32: {  	s10 =	sld [smem:$0x3FB9];
	_ =	sdelay $0x3  }
0x33: {  	p0 =	seq.s32 s10, $0x1;
	s10 =	sld [smem:$0x3FBB];
	_ =	sdelay $0x3  }
0x34: {  	[smem:$0x3FBB] =	sst s10  }
0x35: {  	s10 =	sld [smem:$0x3FBA];
	_ =	sdelay $0x3  }
0x36: {  	p1 =	seq.s32 s10, $0x1;
	s10 =	sld [smem:$0x3FBB];
	_ =	sdelay $0x3  }
0x37: {  	[smem:$0x3FBB] =	sst s10  }
0x38: {  	s10 =	sld [smem:$0x3FBC]  }
0x39: {  	_ = 	snop;
	(pc) =	sbr.ind lr, $3  }
0x3a: {  	_ = 	snop  }
0x3b: {  	_ = 	snop  }
0x3c: {  	p2 =	seq.s32 s10, $0x1;
	s10 =	sld [smem:$0x3FBB]  }
0x3d: {  	_ =	shalt  }
0x3e: {  	_ =	shalt  }
0x3f: {  	_ =	shalt  }
0x40: {  	_ =	shalt  }
0x41: {  	_ =	shalt  }
0x42: {  	_ =	shalt  }
0x43: {  	_ =	shalt  }
0x44: {  	_ =	shalt  }
0x45: {  	_ =	shalt  }
0x46: {  	_ =	shalt  }
0x47: {  	_ =	shalt  }
0x48: {  	_ =	shalt  }
0x49: {  	_ =	shalt  }
0x4a: {  	_ =	shalt  }
0x4b: {  	_ =	shalt  }
0x4c: {  	_ =	shalt  }
0x4d: {  	_ =	shalt  }
0x4e: {  	_ =	shalt  }
0x4f: {  	_ =	shalt  }
0x50: {  	_ =	shalt  }
0x51: {  	_ =	shalt  }
0x52: {  	_ =	shalt  }
0x53: {  	_ =	shalt  }
0x54: {  	_ =	shalt  }
0x55: {  	_ =	shalt  }
0x56: {  	_ =	shalt  }
0x57: {  	_ =	shalt  }
0x58: {  	_ =	shalt  }
0x59: {  	_ =	shalt  }
0x5a: {  	_ =	shalt  }
0x5b: {  	_ =	shalt  }
0x5c: {  	_ =	shalt  }
0x5d: {  	_ =	shalt  }
0x5e: {  	_ =	shalt  }
0x5f: {  	_ =	shalt  }
0x60: {  	_ =	shalt  }
0x61: {  	_ =	shalt  }
0x62: {  	_ =	shalt  }
0x63: {  	_ =	shalt  }
0x64: {  	_ =	shalt  }
0x65: {  	_ =	shalt  }
0x66: {  	_ =	shalt  }
0x67: {  	_ =	shalt  }
0x68: {  	_ =	shalt  }
0x69: {  	_ =	shalt  }
0x6a: {  	_ =	shalt  }
0x6b: {  	_ =	shalt  }
0x6c: {  	_ =	shalt  }
0x6d: {  	_ =	shalt  }
0x6e: {  	_ =	shalt  }
0x6f: {  	_ =	shalt  }
0x70: {  	_ =	shalt  }
0x71: {  	_ =	shalt  }
0x72: {  	_ =	shalt  }
0x73: {  	_ =	shalt  }
0x74: {  	_ =	shalt  }
0x75: {  	_ =	shalt  }
0x76: {  	_ =	shalt  }
0x77: {  	_ =	shalt  }
0x78: {  	_ =	shalt  }
0x79: {  	_ =	shalt  }
0x7a: {  	_ =	shalt  }
0x7b: {  	_ =	shalt  }
0x7c: {  	_ =	shalt  }
0x7d: {  	_ =	shalt  }
0x7e: {  	_ =	shalt  }
0x7f: {  	_ =	shalt  }
0x80: {  	_ =	shalt  }
0x81: {  	_ =	shalt  }
0x82: {  	_ =	shalt  }
0x83: {  	_ =	shalt  }
0x84: {  	_ =	shalt  }
0x85: {  	_ =	shalt  }
0x86: {  	_ =	shalt  }
0x87: {  	_ =	shalt  }
.Lfunc_end0:
.L_simem_size_0:
called_computation_lowered:
.L_overlay_start_0:
0x88: {  	s2 =	sld [smem:$0x3FD9]  }
0x89: {  	s3 =	sld [smem:$0x3FFE];
	_ =	sdelay $0x1  }
0x8a: {  	s1 =	srdreg.scid  }
0x8b: {  	s0 =	sand.u32 $0x1, s1  }
0x8c: {  	s17 =	sshll.u32 s0, $0xA;
	s2 =	sadd.s32 s3, s2  }
0x8d: {  	s2 =	sadd.s32 s2, s17  }
0x8e: {  	[smem:$0x3FC7] =	sst s2  }
0x8f: {  	_ = 	snop  }
0x90: {  	s2 =	sld [smem:$0x3FD0];
	(tm) =	ssettm $0x1  }
0x91: {  	s18 =	sld [smem:$0x3FFB];
	_ =	sdelay $0x3  }
0x92: {  	_ =	strace s18  }
0x93: {  	s3 =	sld [smem:$0x3FFC];
	_ =	sdelay $0x3  }
0x94: {  	_ =	strace s3  }
0x95: {  	s3 =	sld [smem:$0x3FFD];
	_ =	sdelay $0x3  }
0x96: {  	_ =	strace s3  }
0x97: {  	_ =	strace $0x8FFFFFFF  }
0x98: {  	s19 =	sld [smem:$0x3FDB];
	_ =	sdelay $0x1  }
0x99: {  	s4 =	simm.s32 $_scs_section_size  }
0x9a: {  	s5 =	simm.s32 $_size__tile_overlayer_lowered;
	s6 =	simm.s32 $_tile_overlayer_lowered  }
0x9b: {  	s22 =	simm.s32 $0x1BFF;
	s21 =	sshll.u32 s6, $0x1;
	s3 =	sadd.s32 s4, s19  }
0x9c: {  	s7 =	simm.s32 $0x0;
	s20 =	sshll.u32 s5, $0x1;
	s5 =	sadd.s32 s21, s3  }
0x9d: {  	[timem:s7], [sflag:s22] =	dma.local [hbm:s5], s20  }
0x9e: {  	_ =	swait.ge [sflag:s22], s20  }
0x9f: {  	s4 =	ssub.s32 $0x0, s20;
	[sflag:s22] =	ssyncset.done $0x0  }
0xa0: {  	[sflag:s22] =	ssyncadd.s32 s4;
	_ =	sdelay $0x1  }
0xa1: {  	s23 =	simm.s32 $0x1B8B  }
0xa2: {  	_ =	swait.ge [sflag:s23], $0x1  }
0xa3: {  	[sflag:s23] =	ssyncset.done $0x0  }
0xa4: {  	s25 =	simm.s32 $0x1B8E;
	s24 =	sld [smem:$0x3FFE];
	[sflag:s23] =	ssyncadd.s32 $0xFFFFFFFF  }
0xa5: {  	s26 =	simm.s32 $execute0_lowered;
	[smem:$0x3FD2] =	sst s25  }
0xa6: {  	s5 =	sshll.u32 s26, $0x1;
	_ =	strace $0x80000046;
	[dreg:$0x1] =	wrdreg $0xFFFFFFFF  }
0xa7: {  	s28 =	simm.s32 $_size_execute0_lowered;
	s3 =	sadd.s32 s3, s5;
	[dreg:$0x0] =	wrdreg $0x0  }
0xa8: {  	s5 =	sshll.u32 s28, $0x1;
	[dreg:$0x2] =	wrdreg s3  }
0xa9: {  	[dreg:$0x3] =	wrdreg s5  }
0xaa: {  	[dreg:$0x4] =	wrdreg $0xC0  }
0xab: {  	_ =	task [dreg:s7], $0x5FFFF  }
0xac: {  	[dreg:$0x1] =	wrdreg $0xFFFFFFFF  }
0xad: {  	[dreg:$0x0] =	wrdreg $0x60  }
0xae: {  	[dreg:$0x2] =	wrdreg s24  }
0xaf: {  	[dreg:$0x3] =	wrdreg s2  }
0xb0: {  	[dreg:$0x4] =	wrdreg $0x9  }
0xb1: {  	_ =	task.clear_ibuf [dreg:s7], $0x5FFFF;
	_ =	strace $0x90000046  }
0xb2: {  	s29 =	simm.s32 $0x9;
	_ =	strace $0x80000048  }
0xb3: {  	_ =	swait.ge [sflag:s29], $0x1  }
0xb4: {  	[sflag:s29] =	ssyncadd.s32 $0xFFFFFFFF  }
0xb5: {  	_ =	strace $0x90000048  }
0xb6: {  	_ =	sfence  }
0xb7: {  	s30 =	sld [smem:$0x0];
	_ =	sdelay $0x2  }
0xb8: {  	s31 =	sshll.u32 s1, $0xD;
	s1 =	sshrl.u32 s1, $0x2  }
0xb9: {  	s3 =	sand.u32 $0x4000, s31;
	s1 =	sadd.s32 s1, s30  }
0xba: {  	s0 =	sor.u32 s3, s0;
	s1 =	sshll.u32 s1, $0x11  }
0xbb: {  	s0 =	sor.u32 s1, s0  }
0xbc: {  	s0 =	sadd.s32 $0x8F2B, s0  }
0xbd: {  	[sflag:s0] =	ssyncadd.remote.s32 $0x1  }
0xbe: {  	_ =	sfence.sel $0xFFFF  }
0xbf: {  	[dreg:$0x0] =	wrdreg $0xFFFFFFFF;
	(pc) =	sbr.abs _section_cstart, $3  }
0xc0: {  	[dreg:$0x1] =	wrdreg $0xFFFFFFFF  }
0xc1: {  	_ =	task.clear_ibuf [dreg:s7], $0x2FFFF;
	_ =	strace $0x9FFFFFFF  }
0xc2: {  	(tm) =	ssettm $0x7FFFFFFF  }
0xc3: {  	_ =	shalt  }
tec
execute0_lowered:
.L_overlay_start_1:
0x0: {  	(tag) =	ssettag $0x1  }
0x1: {  	s3 =	rddreg [dreg:$0x0]  }
0x2: {  	s5 =	rddreg [dreg:$0x1]  }
0x3: {  	s0 =	rddreg [dreg:$0x2];
	s2 =	simm.s32 $0x0  }
0x4: {  	s1 =	srdreg.scid;
	s8 =	simm.s32 $0x1;
	s9 =	simm.s32 $0x0  }
0x5: {  	[smem:$0x7FF] =	sst s2;
	s4 =	sand.u32 $0x1, s1;
	s1 =	stileid.u32  }
0x6: {  	s3 =	sadd.s32 $0x620000, s3;
	s6 =	ssub.s32 $0x2, s4;
	s4 =	sshll.u32 s4, $0x4  }
0x7: {  	_ =	strace $0x80000047;
	s7 =	sshrl.u32 s6, $0x1;
	s4 =	sor.u32 s1, s4  }
0x8: {  	s6 =	ssub.s32 s6, s7;
	s31 =	sshll.u32 s4, $0xA;
	s4 =	smul.u32 $0x126000, s4  }
0x9: {  	v0 =	vimm.s32 $0x0;
	s7 =	simm.s32 $0x2000;
	s5 =	sadd.s32 s5, s31;
	s6 =	smax.u32 s6, $0x1  }
.LBB2_1:
0xa: {  	s10 =	simm.s32 $0x40;
	s11 =	simm.s32 $0x0  }
.LBB2_2:
0xb: {  	p0 =	sne.s32 s10, $0x7FC0;
	[tilespmem:s11+$0x0] =	vst v0;
	s11 =	smov.u32 s10;
	s10 =	sadd.s32 $0x40, s10  }
.Ltmp0:
0xc: {  	(pc) =	sbr.rel @p0 .LBB2_2-.Ltmp0, $2  }
0xd: {  	_ =	sdelay $0x2  }
0xe: {  	s11 =	sshra.s32 s11, $0x2  }
0xf: {  	[tilespmem:s11+$0x0] =	vst v0;
	s10 =	simm.s32 $0x0;
	s11 =	simm.s32 $0x0  }
.LBB2_4:
0x10: {  	s12 =	sshll.u32 s11, $0xB  }
0x11: {  	s12 =	sadd.s32 s4, s12  }
0x12: {  	s12 =	sshrl.u32 s12, $0x3  }
0x13: {  	s12 =	sadd.s32 s3, s12  }
0x14: {  	[tilespmem:s7], [sflag:$0x1] =	stream.linear.gather [hbm4b:s12+s10], $0x800, $0x38;
	[tilespmem:$0x2800] =	vst v63  }
0x15: {  	_ =	swait.ge [sflag:s8], $0x800  }
0x16: {  	[sflag:s8] =	ssyncset.done $0x0  }
0x17: {  	s13 =	simm.s32 $0x0;
	s12 =	simm.s32 $0x40;
	[sflag:s8] =	ssyncadd.s32 $0xFFFFF800  }
.LBB2_5:
0x18: {  	p0 =	sne.s32 s12, $0x1FC0;
	v1 =	vld [tilespmem:s13+$0x2000];
	_ =	sdelay $0x4  }
0x19: {  	v1 =	vadd.f32 $0.0e+00, v1;
	_ =	sdelay $0x1  }
0x1a: {  	v1 =	vshrl.u32 v1, $0x13  }
0x1b: {  	(xrf1) =	vunique.msk.u32 $0xffff, v1;
	_ =	sdelay $0xd  }
0x1c: {  	_, v2, vm0 =	vpop (xrf1);
	_ =	sdelay $0x1  }
.Ltmp1:
0x1d: {  	(pc) =	sbr.rel @p0 .LBB2_5-.Ltmp1, $2  }
0x1e: {  	_ =	sdelay $0x2  }
0x1f: {  	s13 =	sshra.s32 s12, $0x2;
	s12 =	sadd.s32 $0x40, s12;
	[tilespmem:v1+s2+$0x0] =	vst.idx.add.s32.msk vm0, v2  }
0x20: {  	v1 =	vld [tilespmem:s13+$0x2000];
	_ =	sdelay $0x4  }
0x21: {  	v1 =	vadd.f32 $0.0e+00, v1;
	_ =	sdelay $0x1  }
0x22: {  	v1 =	vshrl.u32 v1, $0x13  }
0x23: {  	(xrf1) =	vunique.msk.u32 $0xffff, v1;
	_ =	sdelay $0xd  }
0x24: {  	s11 =	sadd.s32 $0x1, s11;
	_, v2, vm0 =	vpop (xrf1)  }
0x25: {  	p0 =	sne.s32 s11, $0x24C  }
.Ltmp2:
0x26: {  	_ = 	snop;
	(pc) =	sbr.rel @p0 .LBB2_4-.Ltmp2, $2  }
0x27: {  	_ =	sdelay $0x2  }
0x28: {  	[tilespmem:v1+s2+$0x0] =	vst.idx.add.s32.msk vm0, v2  }
0x29: {  	s9 =	sadd.s32 $0x1, s9  }
0x2a: {  	p0 =	sne.s32 s9, s6  }
.Ltmp3:
0x2b: {  	_ = 	snop;
	(pc) =	sbr.rel @p0 .LBB2_1-.Ltmp3, $4  }
0x2c: {  	[hbm4b:s5+s2] =	stream.linear.scatter [tilespmem:s2], [sflag:$0x1], $0x2000, $0x38;
	[tilespmem:$0x2800] =	vst v63  }
0x2d: {  	_ =	swait.ge [sflag:s8], $0x2000  }
0x2e: {  	[sflag:s8] =	ssyncset.done $0x0  }
0x2f: {  	[sflag:s8] =	ssyncadd.s32 $0xFFFFE000  }
0x30: {  	_ =	sfence.sel $0x180000  }
0x31: {  	[bflag:$0x0] =	sbarrier.arrive $0xFFFF  }
0x32: {  	p0 =	sne.s32 s1, $0x0;
	_ =	strace $0x90000047  }
0x33: {  	s0 =	sadd.s32 @!p0 $0x100000, s0;
	[bflag:$0x2] =	sbarrier.arrive $0xFFFF  }
0x34: {  	[sflag:s0] =	ssyncadd.tile.s32 @!p0 $0x1;
	_ =	shalt  }
.Lfunc_end2:
_tile_overlayer_lowered:
.L_overlay_start_2:
0x35: {  	(tag) =	ssettag $0x2  }
0x36: {  	s0 =	rddreg [dreg:$0x0];
	s2 =	stileid.u32  }
0x37: {  	s1 =	rddreg [dreg:$0x1];
	p0 =	sne.s32 s2, $0x0  }
0x38: {  	s3 =	rddreg [dreg:$0x2];
	[bflag:$0x3] =	sbarrier.arrive $0xFFFF;
	s2 =	simm.s32 @!p0 $0x1C01  }
0x39: {  	[timem:s3], [sflag:s2] =	dma.local @!p0 [hbm:s0], s1  }
0x3a: {  	s0 =	simm.s32 @!p0 $0x1  }
0x3b: {  	_ =	swait.ge @!p0 [sflag:s0], s1  }
0x3c: {  	s1 =	ssub.s32 @!p0 $0x0, s1;
	[sflag:s0] =	ssyncset.done @!p0 $0x0  }
0x3d: {  	[sflag:s0] =	ssyncadd.s32 @!p0 s1  }
0x3e: {  	[bflag:$0x3] =	sbarrier.arrive $0xFFFF  }
0x3f: {  	_ =	shalt  }

</sc_bundles>
